<compile_context>
chip_gen: v7x
topology: tpu7x:2x2x1
jax: 0.10.2.dev20260603
libtpu: 0.0.44.dev20260713+nightly
codegen_flags: <defaults>
</compile_context>

<pallas_src>
import jax
import jax.numpy as jnp
from jax import lax
from jax.experimental import pallas as pl
from jax.experimental.pallas import tpu as pltpu
from jax.experimental.pallas import tpu_sc as plsc

B, S, D = 4, 8192, 1024
N = B * S
NC, NS, L = 2, 16, 16
NW = NC * NS
ROWS_PER_W = N // NW
C = 8
NCHUNK = ROWS_PER_W // C
NBUF = 4
NGROUP = NCHUNK // NBUF


def _body(tokens_hbm, idx_hbm, table_hbm, out_hbm, idx_v,
          a0, a1, a2, a3, b0, b1, b2, b3,
          si0, si1, si2, si3, so0, so1, so2, so3):
  gat = [a0, a1, a2, a3]
  tok = [b0, b1, b2, b3]
  sin = [si0, si1, si2, si3]
  sout = [so0, so1, so2, so3]

  wid = lax.axis_index("s") * NC + lax.axis_index("c")
  base_w = wid * ROWS_PER_W
  pltpu.sync_copy(idx_hbm.at[pl.ds(base_w, ROWS_PER_W)], idx_v)

  def in_descs(c, slot):
    base = base_w + c * C
    return (
        pltpu.make_async_copy(tokens_hbm.at[pl.ds(base, C)], tok[slot],
                              sin[slot]),
        pltpu.make_async_copy(table_hbm.at[idx_v.at[pl.ds(c * C, C)]],
                              gat[slot], sin[slot]),
    )

  def out_desc(c, slot):
    base = base_w + c * C
    return pltpu.make_async_copy(tok[slot], out_hbm.at[pl.ds(base, C)],
                                 sout[slot])

  def start_in(c, slot):
    for d in in_descs(c, slot):
      d.start()

  def wait_in(c, slot):
    for d in in_descs(c, slot):
      d.wait()

  def add(slot):
    dst, src = tok[slot], gat[slot]

    def row_body(i, carry):
      @plsc.parallel_loop(0, D // L, unroll=8)
      def col_body(j):
        plsc.addupdate(dst.at[i, pl.ds(j * L, L)], src[i, pl.ds(j * L, L)])

      return carry

    lax.fori_loop(0, C, row_body, 0, unroll=False)

  def step(c, b, do_wait_out, do_start_in):
    s = (b + 2) % NBUF
    if do_wait_out:
      out_desc(c - 2, s).wait()
    if do_start_in:
      start_in(c + 2, s)
    wait_in(c, b)
    add(b)
    out_desc(c, b).start()

  start_in(0, 0)
  start_in(1, 1)

  for b in range(NBUF):
    step(b, b, do_wait_out=(b >= 2), do_start_in=True)

  def group_body(g, carry):
    for b in range(NBUF):
      step(g * NBUF + b, b, do_wait_out=True, do_start_in=True)
    return carry

  lax.fori_loop(1, NGROUP - 1, group_body, 0, unroll=False)

  for b in range(NBUF):
    c = (NGROUP - 1) * NBUF + b
    step(c, b, do_wait_out=True, do_start_in=(b < 2))

  out_desc(NCHUNK - 2, (NBUF - 2) % NBUF).wait()
  out_desc(NCHUNK - 1, (NBUF - 1) % NBUF).wait()


_sc_call = pl.kernel(
    _body,
    out_type=jax.ShapeDtypeStruct((N, D), jnp.float32),
    mesh=plsc.VectorSubcoreMesh(core_axis_name="c", subcore_axis_name="s"),
    scratch_types=(
        [pltpu.VMEM((ROWS_PER_W,), jnp.int32)]
        + [pltpu.VMEM((C, D), jnp.float32) for _ in range(2 * NBUF)]
        + [pltpu.SemaphoreType.DMA for _ in range(2 * NBUF)]
    ),
)


@jax.jit
def kernel(tokens, pos_indices, pos_enc):
  tok2 = tokens.reshape(N, D)
  idx = pos_indices.reshape(N).astype(jnp.int32)
  out = _sc_call(tok2, idx, pos_enc)
  return out.reshape(B, S, D)

# --- scband reference (transcript-rebuilt; emitter-appended) ---
"""Pipeline reference for scband-sinusoidal-positional-encoding-19301583028637 (READ-ONLY COPY).

The authoritative reference and input builder live on the scoring server;
editing this copy changes nothing except your own understanding.
"""

import jax, jax.numpy as jnp
import numpy as np

CONTEXT_LENGTH = 8192
EMBED_DIM = 1024
BATCH = 4
SEQ_LEN = 8192


def make_pos_enc(context_length, embed_dim):
    pos = jnp.arange(context_length, dtype=jnp.float32)
    even_dims = jnp.arange(0, embed_dim, 2, dtype=jnp.float32)
    scale_factors = 10000.0 ** (-even_dims / embed_dim)
    scaled_pos = pos[:, None] * scale_factors[None, :]
    pos_enc = jnp.zeros((context_length, embed_dim), dtype=jnp.float32)
    pos_enc = pos_enc.at[:, 0::2].set(jnp.sin(scaled_pos))
    pos_enc = pos_enc.at[:, 1::2].set(jnp.cos(scaled_pos))
    return pos_enc


def setup_inputs(seed: int = 0) -> dict:
    key = jax.random.key(seed)
    k1, k2 = jax.random.split(key)
    tokens = jax.random.normal(k1, (BATCH, SEQ_LEN, EMBED_DIM), dtype=jnp.float32)
    pos_indices = jax.random.randint(k2, (BATCH, SEQ_LEN), 0, CONTEXT_LENGTH)
    pos_enc = make_pos_enc(CONTEXT_LENGTH, EMBED_DIM)
    return {"tokens": tokens, "pos_indices": pos_indices, "pos_enc": pos_enc}


def reference(tokens, pos_indices, pos_enc):
    # gather rows of the positional-encoding buffer and add to token embeddings
    return tokens + jnp.take(pos_enc, pos_indices, axis=0)

if __name__ == "__main__":
    import jax
    _d = setup_inputs()
    print(jax.jit(kernel)(*tuple(_d.values())))

</pallas_src>

<mosaic_0001>
#map = affine_map<(d0, d1) -> (0, 0)>
#map1 = affine_map<(d0, d1) -> (0)>
module attributes {stable_mosaic.version = 14 : i64} {
  func.func @_body(%arg0: i32, %arg1: i32, %arg2: memref<32768x1024xf32, #tpu.memory_space<hbm>>, %arg3: memref<32768xi32, #tpu.memory_space<hbm>>, %arg4: memref<8192x1024xf32, #tpu.memory_space<hbm>>, %arg5: memref<32768x1024xf32, #tpu.memory_space<hbm>>, %arg6: memref<1024xi32, #tpu.memory_space<vmem>>, %arg7: memref<8x1024xf32, #tpu.memory_space<vmem>>, %arg8: memref<8x1024xf32, #tpu.memory_space<vmem>>, %arg9: memref<8x1024xf32, #tpu.memory_space<vmem>>, %arg10: memref<8x1024xf32, #tpu.memory_space<vmem>>, %arg11: memref<8x1024xf32, #tpu.memory_space<vmem>>, %arg12: memref<8x1024xf32, #tpu.memory_space<vmem>>, %arg13: memref<8x1024xf32, #tpu.memory_space<vmem>>, %arg14: memref<8x1024xf32, #tpu.memory_space<vmem>>, %arg15: memref<!tpu.dma_semaphore, #tpu.memory_space<semaphore_mem>>, %arg16: memref<!tpu.dma_semaphore, #tpu.memory_space<semaphore_mem>>, %arg17: memref<!tpu.dma_semaphore, #tpu.memory_space<semaphore_mem>>, %arg18: memref<!tpu.dma_semaphore, #tpu.memory_space<semaphore_mem>>, %arg19: memref<!tpu.dma_semaphore, #tpu.memory_space<semaphore_mem>>, %arg20: memref<!tpu.dma_semaphore, #tpu.memory_space<semaphore_mem>>, %arg21: memref<!tpu.dma_semaphore, #tpu.memory_space<semaphore_mem>>, %arg22: memref<!tpu.dma_semaphore, #tpu.memory_space<semaphore_mem>>) attributes {dimension_semantics = [#tpu.dimension_semantics<core_parallel>, #tpu.dimension_semantics<subcore_parallel>], iteration_bounds = array<i64: 2, 16>, scalar_prefetch = 0 : i64, scratch_operands = 17 : i64, tpu.core_type = #tpu.core_type<sc_vector_subcore>, window_params = [{transform_indices = #map}, {transform_indices = #map1}, {transform_indices = #map}, {transform_indices = #map}]} {
    %mul3A = arith.constant 2 : i32
    %mul3A_0 = arith.muli %arg1, %mul3A : i32
    %add3A = arith.addi %mul3A_0, %arg0 : i32
    %mul3A_1 = arith.constant 1024 : i32
    %mul3A_2 = arith.muli %add3A, %mul3A_1 : i32
    "tpu.region"() ({
      %run_scoped3A = tpu.sem_alloc : memref<!tpu.dma_semaphore, #tpu.memory_space<semaphore_mem>>
      %dma_start3A_326 = tpu.memref_slice %arg3[%mul3A_2] : memref<32768xi32, #tpu.memory_space<hbm>> -> memref<1024xi32, #tpu.memory_space<hbm>>
      %dma_start3A_327 = tpu.memref_slice %arg3[%mul3A_2] : memref<32768xi32, #tpu.memory_space<hbm>> -> memref<1024xi32, #tpu.memory_space<hbm>>
      tpu.enqueue_dma source(%dma_start3A_327 : memref<1024xi32, #tpu.memory_space<hbm>>) target(%arg6 : memref<1024xi32, #tpu.memory_space<vmem>>) target_semaphore(%run_scoped3A : memref<!tpu.dma_semaphore, #tpu.memory_space<semaphore_mem>>)
      %dma_wait3A_328 = tpu.memref_slice %arg3[%mul3A_2] : memref<32768xi32, #tpu.memory_space<hbm>> -> memref<1024xi32, #tpu.memory_space<hbm>>
      %dma_wait3A_329 = tpu.memref_slice %arg3[%mul3A_2] : memref<32768xi32, #tpu.memory_space<hbm>> -> memref<1024xi32, #tpu.memory_space<hbm>>
      tpu.wait_dma2 semaphore(%run_scoped3A : memref<!tpu.dma_semaphore, #tpu.memory_space<semaphore_mem>>) src(%dma_wait3A_329 : memref<1024xi32, #tpu.memory_space<hbm>>) dst(%arg6 : memref<1024xi32, #tpu.memory_space<vmem>>)
      tpu.yield
    }) : () -> ()
    %add3A_3 = arith.constant 0 : i32
    %add3A_4 = arith.addi %mul3A_2, %add3A_3 : i32
    %dma_start3A = arith.constant 0 : i32
    %dma_start3A_5 = tpu.memref_slice %arg2[%add3A_4, %dma_start3A] : memref<32768x1024xf32, #tpu.memory_space<hbm>> -> memref<8x1024xf32, #tpu.memory_space<hbm>>
    %dma_start3A_6 = arith.constant 0 : i32
    %dma_start3A_7 = tpu.memref_slice %arg2[%add3A_4, %dma_start3A_6] : memref<32768x1024xf32, #tpu.memory_space<hbm>> -> memref<8x1024xf32, #tpu.memory_space<hbm>>
    tpu.enqueue_dma source(%dma_start3A_7 : memref<8x1024xf32, #tpu.memory_space<hbm>>) target(%arg11 : memref<8x1024xf32, #tpu.memory_space<vmem>>) target_semaphore(%arg15 : memref<!tpu.dma_semaphore, #tpu.memory_space<semaphore_mem>>)
    %dma_start3A_8 = arith.constant 0 : i32
    %dma_start3A_9 = tpu.memref_slice %arg6[%dma_start3A_8] : memref<1024xi32, #tpu.memory_space<vmem>> -> memref<8xi32, #tpu.memory_space<vmem>>
    %dma_start3A_10 = arith.constant 0 : i32
    %dma_start3A_11 = arith.constant 0 : i32
    %dma_start3A_12 = tpu.memref_slice %arg4[%dma_start3A_10, %dma_start3A_11] : memref<8192x1024xf32, #tpu.memory_space<hbm>> -> memref<8192x1024xf32, #tpu.memory_space<hbm>>
    tpu.enqueue_indirect_dma source(%dma_start3A_12 : memref<8192x1024xf32, #tpu.memory_space<hbm>>) target(%arg7 : memref<8x1024xf32, #tpu.memory_space<vmem>>) offsets(%dma_start3A_9 : memref<8xi32, #tpu.memory_space<vmem>>) semaphore(%arg15 : memref<!tpu.dma_semaphore, #tpu.memory_space<semaphore_mem>>)
    %add3A_13 = arith.constant 8 : i32
    %add3A_14 = arith.addi %mul3A_2, %add3A_13 : i32
    %dma_start3A_15 = arith.constant 0 : i32
    %dma_start3A_16 = tpu.memref_slice %arg2[%add3A_14, %dma_start3A_15] : memref<32768x1024xf32, #tpu.memory_space<hbm>> -> memref<8x1024xf32, #tpu.memory_space<hbm>>
    %dma_start3A_17 = arith.constant 0 : i32
    %dma_start3A_18 = tpu.memref_slice %arg2[%add3A_14, %dma_start3A_17] : memref<32768x1024xf32, #tpu.memory_space<hbm>> -> memref<8x1024xf32, #tpu.memory_space<hbm>>
    tpu.enqueue_dma source(%dma_start3A_18 : memref<8x1024xf32, #tpu.memory_space<hbm>>) target(%arg12 : memref<8x1024xf32, #tpu.memory_space<vmem>>) target_semaphore(%arg16 : memref<!tpu.dma_semaphore, #tpu.memory_space<semaphore_mem>>)
    %dma_start3A_19 = arith.constant 8 : i32
    %dma_start3A_20 = tpu.memref_slice %arg6[%dma_start3A_19] : memref<1024xi32, #tpu.memory_space<vmem>> -> memref<8xi32, #tpu.memory_space<vmem>>
    %dma_start3A_21 = arith.constant 0 : i32
    %dma_start3A_22 = arith.constant 0 : i32
    %dma_start3A_23 = tpu.memref_slice %arg4[%dma_start3A_21, %dma_start3A_22] : memref<8192x1024xf32, #tpu.memory_space<hbm>> -> memref<8192x1024xf32, #tpu.memory_space<hbm>>
    tpu.enqueue_indirect_dma source(%dma_start3A_23 : memref<8192x1024xf32, #tpu.memory_space<hbm>>) target(%arg8 : memref<8x1024xf32, #tpu.memory_space<vmem>>) offsets(%dma_start3A_20 : memref<8xi32, #tpu.memory_space<vmem>>) semaphore(%arg16 : memref<!tpu.dma_semaphore, #tpu.memory_space<semaphore_mem>>)
    %add3A_24 = arith.constant 16 : i32
    %add3A_25 = arith.addi %mul3A_2, %add3A_24 : i32
    %dma_start3A_26 = arith.constant 0 : i32
    %dma_start3A_27 = tpu.memref_slice %arg2[%add3A_25, %dma_start3A_26] : memref<32768x1024xf32, #tpu.memory_space<hbm>> -> memref<8x1024xf32, #tpu.memory_space<hbm>>
    %dma_start3A_28 = arith.constant 0 : i32
    %dma_start3A_29 = tpu.memref_slice %arg2[%add3A_25, %dma_start3A_28] : memref<32768x1024xf32, #tpu.memory_space<hbm>> -> memref<8x1024xf32, #tpu.memory_space<hbm>>
    tpu.enqueue_dma source(%dma_start3A_29 : memref<8x1024xf32, #tpu.memory_space<hbm>>) target(%arg13 : memref<8x1024xf32, #tpu.memory_space<vmem>>) target_semaphore(%arg17 : memref<!tpu.dma_semaphore, #tpu.memory_space<semaphore_mem>>)
    %dma_start3A_30 = arith.constant 16 : i32
    %dma_start3A_31 = tpu.memref_slice %arg6[%dma_start3A_30] : memref<1024xi32, #tpu.memory_space<vmem>> -> memref<8xi32, #tpu.memory_space<vmem>>
    %dma_start3A_32 = arith.constant 0 : i32
    %dma_start3A_33 = arith.constant 0 : i32
    %dma_start3A_34 = tpu.memref_slice %arg4[%dma_start3A_32, %dma_start3A_33] : memref<8192x1024xf32, #tpu.memory_space<hbm>> -> memref<8192x1024xf32, #tpu.memory_space<hbm>>
    tpu.enqueue_indirect_dma source(%dma_start3A_34 : memref<8192x1024xf32, #tpu.memory_space<hbm>>) target(%arg9 : memref<8x1024xf32, #tpu.memory_space<vmem>>) offsets(%dma_start3A_31 : memref<8xi32, #tpu.memory_space<vmem>>) semaphore(%arg17 : memref<!tpu.dma_semaphore, #tpu.memory_space<semaphore_mem>>)
    %add3A_35 = arith.constant 0 : i32
    %add3A_36 = arith.addi %mul3A_2, %add3A_35 : i32
    %dma_wait3A = arith.constant 0 : i32
    %dma_wait3A_37 = tpu.memref_slice %arg2[%add3A_36, %dma_wait3A] : memref<32768x1024xf32, #tpu.memory_space<hbm>> -> memref<8x1024xf32, #tpu.memory_space<hbm>>
    %dma_wait3A_38 = arith.constant 0 : i32
    %dma_wait3A_39 = tpu.memref_slice %arg2[%add3A_36, %dma_wait3A_38] : memref<32768x1024xf32, #tpu.memory_space<hbm>> -> memref<8x1024xf32, #tpu.memory_space<hbm>>
    tpu.wait_dma2 semaphore(%arg15 : memref<!tpu.dma_semaphore, #tpu.memory_space<semaphore_mem>>) src(%dma_wait3A_39 : memref<8x1024xf32, #tpu.memory_space<hbm>>) dst(%arg11 : memref<8x1024xf32, #tpu.memory_space<vmem>>)
    %dma_wait3A_40 = arith.constant 0 : i32
    %dma_wait3A_41 = tpu.memref_slice %arg6[%dma_wait3A_40] : memref<1024xi32, #tpu.memory_space<vmem>> -> memref<8xi32, #tpu.memory_space<vmem>>
    %dma_wait3A_42 = arith.constant 0 : i32
    %dma_wait3A_43 = arith.constant 0 : i32
    %dma_wait3A_44 = tpu.memref_slice %arg4[%dma_wait3A_42, %dma_wait3A_43] : memref<8192x1024xf32, #tpu.memory_space<hbm>> -> memref<8192x1024xf32, #tpu.memory_space<hbm>>
    tpu.wait_indirect_dma semaphore(%arg15 : memref<!tpu.dma_semaphore, #tpu.memory_space<semaphore_mem>>) src(%dma_wait3A_44 : memref<8192x1024xf32, #tpu.memory_space<hbm>>) dst(%arg7 : memref<8x1024xf32, #tpu.memory_space<vmem>>)
    %scan3A = arith.constant 0 : i32
    %scan3A_45 = arith.constant 0 : i32
    %scan3A_46 = arith.constant 8 : i32
    %scan3A_47 = arith.addi %scan3A_45, %scan3A_46 : i32
    %scan3A_48 = arith.constant 1 : i32
    scf.for %scan3A_326 = %scan3A_45 to %scan3A_47 step %scan3A_48  : i32 {
      %parallel_loop3A = arith.constant 0 : i32
      %parallel_loop3A_327 = arith.constant 64 : i32
      %parallel_loop3A_328 = arith.constant 1 : i32
      scf.for %parallel_loop3A_329 = %parallel_loop3A to %parallel_loop3A_327 step %parallel_loop3A_328  : i32 {
        %parallel_loop3A_330 = arith.constant 16 : i32
        %parallel_loop3A_331 = arith.muli %parallel_loop3A_329, %parallel_loop3A_330 : i32
        %parallel_loop3A_332 = arith.constant 16 : i32
        %parallel_loop3A_333 = arith.muli %parallel_loop3A_329, %parallel_loop3A_332 : i32
        %parallel_loop3A_334 = arith.index_cast %scan3A_326 : i32 to index
        %parallel_loop3A_335 = arith.index_cast %parallel_loop3A_333 : i32 to index
        %parallel_loop3A_336 = tpu.vector_load %arg7[%parallel_loop3A_334, %parallel_loop3A_335] {strides = array<i32>} : memref<8x1024xf32, #tpu.memory_space<vmem>>, vector<1x16xf32>,
        %parallel_loop3A_337 = vector.shape_cast %parallel_loop3A_336 : vector<1x16xf32> to vector<16xf32>
        %parallel_loop3A_338 = arith.index_cast %scan3A_326 : i32 to index
        %parallel_loop3A_339 = arith.index_cast %parallel_loop3A_331 : i32 to index
        %parallel_loop3A_340 = tpu.vector_load %arg11[%parallel_loop3A_338, %parallel_loop3A_339] {strides = array<i32>} : memref<8x1024xf32, #tpu.memory_space<vmem>>, vector<1x16xf32>,
        %parallel_loop3A_341 = vector.shape_cast %parallel_loop3A_340 : vector<1x16xf32> to vector<16xf32>
        %parallel_loop3A_342 = vector.shape_cast %parallel_loop3A_337 : vector<16xf32> to vector<1x16xf32>
        tpu.vector_store %arg11[%parallel_loop3A_338, %parallel_loop3A_339], %parallel_loop3A_342 {add = true, strides = array<i32>} : memref<8x1024xf32, #tpu.memory_space<vmem>>, vector<1x16xf32>,
      } {sc.loop_unroll_factor = 8 : i64, sc.parallel_access}
    }
    %scan3A_49 = arith.constant 8 : i32
    %add3A_50 = arith.constant 0 : i32
    %add3A_51 = arith.addi %mul3A_2, %add3A_50 : i32
    %dma_start3A_52 = arith.constant 0 : i32
    %dma_start3A_53 = tpu.memref_slice %arg5[%add3A_51, %dma_start3A_52] : memref<32768x1024xf32, #tpu.memory_space<hbm>> -> memref<8x1024xf32, #tpu.memory_space<hbm>>
    %dma_start3A_54 = arith.constant 0 : i32
    %dma_start3A_55 = tpu.memref_slice %arg5[%add3A_51, %dma_start3A_54] : memref<32768x1024xf32, #tpu.memory_space<hbm>> -> memref<8x1024xf32, #tpu.memory_space<hbm>>
    tpu.enqueue_dma source(%arg11 : memref<8x1024xf32, #tpu.memory_space<vmem>>) target(%dma_start3A_55 : memref<8x1024xf32, #tpu.memory_space<hbm>>) target_semaphore(%arg19 : memref<!tpu.dma_semaphore, #tpu.memory_space<semaphore_mem>>)
    %add3A_56 = arith.constant 24 : i32
    %add3A_57 = arith.addi %mul3A_2, %add3A_56 : i32
    %dma_start3A_58 = arith.constant 0 : i32
    %dma_start3A_59 = tpu.memref_slice %arg2[%add3A_57, %dma_start3A_58] : memref<32768x1024xf32, #tpu.memory_space<hbm>> -> memref<8x1024xf32, #tpu.memory_space<hbm>>
    %dma_start3A_60 = arith.constant 0 : i32
    %dma_start3A_61 = tpu.memref_slice %arg2[%add3A_57, %dma_start3A_60] : memref<32768x1024xf32, #tpu.memory_space<hbm>> -> memref<8x1024xf32, #tpu.memory_space<hbm>>
    tpu.enqueue_dma source(%dma_start3A_61 : memref<8x1024xf32, #tpu.memory_space<hbm>>) target(%arg14 : memref<8x1024xf32, #tpu.memory_space<vmem>>) target_semaphore(%arg18 : memref<!tpu.dma_semaphore, #tpu.memory_space<semaphore_mem>>)
    %dma_start3A_62 = arith.constant 24 : i32
    %dma_start3A_63 = tpu.memref_slice %arg6[%dma_start3A_62] : memref<1024xi32, #tpu.memory_space<vmem>> -> memref<8xi32, #tpu.memory_space<vmem>>
    %dma_start3A_64 = arith.constant 0 : i32
    %dma_start3A_65 = arith.constant 0 : i32
    %dma_start3A_66 = tpu.memref_slice %arg4[%dma_start3A_64, %dma_start3A_65] : memref<8192x1024xf32, #tpu.memory_space<hbm>> -> memref<8192x1024xf32, #tpu.memory_space<hbm>>
    tpu.enqueue_indirect_dma source(%dma_start3A_66 : memref<8192x1024xf32, #tpu.memory_space<hbm>>) target(%arg10 : memref<8x1024xf32, #tpu.memory_space<vmem>>) offsets(%dma_start3A_63 : memref<8xi32, #tpu.memory_space<vmem>>) semaphore(%arg18 : memref<!tpu.dma_semaphore, #tpu.memory_space<semaphore_mem>>)
    %add3A_67 = arith.constant 8 : i32
    %add3A_68 = arith.addi %mul3A_2, %add3A_67 : i32
    %dma_wait3A_69 = arith.constant 0 : i32
    %dma_wait3A_70 = tpu.memref_slice %arg2[%add3A_68, %dma_wait3A_69] : memref<32768x1024xf32, #tpu.memory_space<hbm>> -> memref<8x1024xf32, #tpu.memory_space<hbm>>
    %dma_wait3A_71 = arith.constant 0 : i32
    %dma_wait3A_72 = tpu.memref_slice %arg2[%add3A_68, %dma_wait3A_71] : memref<32768x1024xf32, #tpu.memory_space<hbm>> -> memref<8x1024xf32, #tpu.memory_space<hbm>>
    tpu.wait_dma2 semaphore(%arg16 : memref<!tpu.dma_semaphore, #tpu.memory_space<semaphore_mem>>) src(%dma_wait3A_72 : memref<8x1024xf32, #tpu.memory_space<hbm>>) dst(%arg12 : memref<8x1024xf32, #tpu.memory_space<vmem>>)
    %dma_wait3A_73 = arith.constant 8 : i32
    %dma_wait3A_74 = tpu.memref_slice %arg6[%dma_wait3A_73] : memref<1024xi32, #tpu.memory_space<vmem>> -> memref<8xi32, #tpu.memory_space<vmem>>
    %dma_wait3A_75 = arith.constant 0 : i32
    %dma_wait3A_76 = arith.constant 0 : i32
    %dma_wait3A_77 = tpu.memref_slice %arg4[%dma_wait3A_75, %dma_wait3A_76] : memref<8192x1024xf32, #tpu.memory_space<hbm>> -> memref<8192x1024xf32, #tpu.memory_space<hbm>>
    tpu.wait_indirect_dma semaphore(%arg16 : memref<!tpu.dma_semaphore, #tpu.memory_space<semaphore_mem>>) src(%dma_wait3A_77 : memref<8192x1024xf32, #tpu.memory_space<hbm>>) dst(%arg8 : memref<8x1024xf32, #tpu.memory_space<vmem>>)
    %scan3A_78 = arith.constant 0 : i32
    %scan3A_79 = arith.constant 0 : i32
    %scan3A_80 = arith.constant 8 : i32
    %scan3A_81 = arith.addi %scan3A_79, %scan3A_80 : i32
    %scan3A_82 = arith.constant 1 : i32
    scf.for %scan3A_326 = %scan3A_79 to %scan3A_81 step %scan3A_82  : i32 {
      %parallel_loop3A = arith.constant 0 : i32
      %parallel_loop3A_327 = arith.constant 64 : i32
      %parallel_loop3A_328 = arith.constant 1 : i32
      scf.for %parallel_loop3A_329 = %parallel_loop3A to %parallel_loop3A_327 step %parallel_loop3A_328  : i32 {
        %parallel_loop3A_330 = arith.constant 16 : i32
        %parallel_loop3A_331 = arith.muli %parallel_loop3A_329, %parallel_loop3A_330 : i32
        %parallel_loop3A_332 = arith.constant 16 : i32
        %parallel_loop3A_333 = arith.muli %parallel_loop3A_329, %parallel_loop3A_332 : i32
        %parallel_loop3A_334 = arith.index_cast %scan3A_326 : i32 to index
        %parallel_loop3A_335 = arith.index_cast %parallel_loop3A_333 : i32 to index
        %parallel_loop3A_336 = tpu.vector_load %arg8[%parallel_loop3A_334, %parallel_loop3A_335] {strides = array<i32>} : memref<8x1024xf32, #tpu.memory_space<vmem>>, vector<1x16xf32>,
        %parallel_loop3A_337 = vector.shape_cast %parallel_loop3A_336 : vector<1x16xf32> to vector<16xf32>
        %parallel_loop3A_338 = arith.index_cast %scan3A_326 : i32 to index
        %parallel_loop3A_339 = arith.index_cast %parallel_loop3A_331 : i32 to index
        %parallel_loop3A_340 = tpu.vector_load %arg12[%parallel_loop3A_338, %parallel_loop3A_339] {strides = array<i32>} : memref<8x1024xf32, #tpu.memory_space<vmem>>, vector<1x16xf32>,
        %parallel_loop3A_341 = vector.shape_cast %parallel_loop3A_340 : vector<1x16xf32> to vector<16xf32>
        %parallel_loop3A_342 = vector.shape_cast %parallel_loop3A_337 : vector<16xf32> to vector<1x16xf32>
        tpu.vector_store %arg12[%parallel_loop3A_338, %parallel_loop3A_339], %parallel_loop3A_342 {add = true, strides = array<i32>} : memref<8x1024xf32, #tpu.memory_space<vmem>>, vector<1x16xf32>,
      } {sc.loop_unroll_factor = 8 : i64, sc.parallel_access}
    }
    %scan3A_83 = arith.constant 8 : i32
    %add3A_84 = arith.constant 8 : i32
    %add3A_85 = arith.addi %mul3A_2, %add3A_84 : i32
    %dma_start3A_86 = arith.constant 0 : i32
    %dma_start3A_87 = tpu.memref_slice %arg5[%add3A_85, %dma_start3A_86] : memref<32768x1024xf32, #tpu.memory_space<hbm>> -> memref<8x1024xf32, #tpu.memory_space<hbm>>
    %dma_start3A_88 = arith.constant 0 : i32
    %dma_start3A_89 = tpu.memref_slice %arg5[%add3A_85, %dma_start3A_88] : memref<32768x1024xf32, #tpu.memory_space<hbm>> -> memref<8x1024xf32, #tpu.memory_space<hbm>>
    tpu.enqueue_dma source(%arg12 : memref<8x1024xf32, #tpu.memory_space<vmem>>) target(%dma_start3A_89 : memref<8x1024xf32, #tpu.memory_space<hbm>>) target_semaphore(%arg20 : memref<!tpu.dma_semaphore, #tpu.memory_space<semaphore_mem>>)
    %add3A_90 = arith.constant 0 : i32
    %add3A_91 = arith.addi %mul3A_2, %add3A_90 : i32
    %dma_wait3A_92 = arith.constant 0 : i32
    %dma_wait3A_93 = tpu.memref_slice %arg5[%add3A_91, %dma_wait3A_92] : memref<32768x1024xf32, #tpu.memory_space<hbm>> -> memref<8x1024xf32, #tpu.memory_space<hbm>>
    %dma_wait3A_94 = arith.constant 0 : i32
    %dma_wait3A_95 = tpu.memref_slice %arg5[%add3A_91, %dma_wait3A_94] : memref<32768x1024xf32, #tpu.memory_space<hbm>> -> memref<8x1024xf32, #tpu.memory_space<hbm>>
    tpu.wait_dma2 semaphore(%arg19 : memref<!tpu.dma_semaphore, #tpu.memory_space<semaphore_mem>>) src(%arg11 : memref<8x1024xf32, #tpu.memory_space<vmem>>) dst(%dma_wait3A_95 : memref<8x1024xf32, #tpu.memory_space<hbm>>)
    %add3A_96 = arith.constant 32 : i32
    %add3A_97 = arith.addi %mul3A_2, %add3A_96 : i32
    %dma_start3A_98 = arith.constant 0 : i32
    %dma_start3A_99 = tpu.memref_slice %arg2[%add3A_97, %dma_start3A_98] : memref<32768x1024xf32, #tpu.memory_space<hbm>> -> memref<8x1024xf32, #tpu.memory_space<hbm>>
    %dma_start3A_100 = arith.constant 0 : i32
    %dma_start3A_101 = tpu.memref_slice %arg2[%add3A_97, %dma_start3A_100] : memref<32768x1024xf32, #tpu.memory_space<hbm>> -> memref<8x1024xf32, #tpu.memory_space<hbm>>
    tpu.enqueue_dma source(%dma_start3A_101 : memref<8x1024xf32, #tpu.memory_space<hbm>>) target(%arg11 : memref<8x1024xf32, #tpu.memory_space<vmem>>) target_semaphore(%arg15 : memref<!tpu.dma_semaphore, #tpu.memory_space<semaphore_mem>>)
    %dma_start3A_102 = arith.constant 32 : i32
    %dma_start3A_103 = tpu.memref_slice %arg6[%dma_start3A_102] : memref<1024xi32, #tpu.memory_space<vmem>> -> memref<8xi32, #tpu.memory_space<vmem>>
    %dma_start3A_104 = arith.constant 0 : i32
    %dma_start3A_105 = arith.constant 0 : i32
    %dma_start3A_106 = tpu.memref_slice %arg4[%dma_start3A_104, %dma_start3A_105] : memref<8192x1024xf32, #tpu.memory_space<hbm>> -> memref<8192x1024xf32, #tpu.memory_space<hbm>>
    tpu.enqueue_indirect_dma source(%dma_start3A_106 : memref<8192x1024xf32, #tpu.memory_space<hbm>>) target(%arg7 : memref<8x1024xf32, #tpu.memory_space<vmem>>) offsets(%dma_start3A_103 : memref<8xi32, #tpu.memory_space<vmem>>) semaphore(%arg15 : memref<!tpu.dma_semaphore, #tpu.memory_space<semaphore_mem>>)
    %add3A_107 = arith.constant 16 : i32
    %add3A_108 = arith.addi %mul3A_2, %add3A_107 : i32
    %dma_wait3A_109 = arith.constant 0 : i32
    %dma_wait3A_110 = tpu.memref_slice %arg2[%add3A_108, %dma_wait3A_109] : memref<32768x1024xf32, #tpu.memory_space<hbm>> -> memref<8x1024xf32, #tpu.memory_space<hbm>>
    %dma_wait3A_111 = arith.constant 0 : i32
    %dma_wait3A_112 = tpu.memref_slice %arg2[%add3A_108, %dma_wait3A_111] : memref<32768x1024xf32, #tpu.memory_space<hbm>> -> memref<8x1024xf32, #tpu.memory_space<hbm>>
    tpu.wait_dma2 semaphore(%arg17 : memref<!tpu.dma_semaphore, #tpu.memory_space<semaphore_mem>>) src(%dma_wait3A_112 : memref<8x1024xf32, #tpu.memory_space<hbm>>) dst(%arg13 : memref<8x1024xf32, #tpu.memory_space<vmem>>)
    %dma_wait3A_113 = arith.constant 16 : i32
    %dma_wait3A_114 = tpu.memref_slice %arg6[%dma_wait3A_113] : memref<1024xi32, #tpu.memory_space<vmem>> -> memref<8xi32, #tpu.memory_space<vmem>>
    %dma_wait3A_115 = arith.constant 0 : i32
    %dma_wait3A_116 = arith.constant 0 : i32
    %dma_wait3A_117 = tpu.memref_slice %arg4[%dma_wait3A_115, %dma_wait3A_116] : memref<8192x1024xf32, #tpu.memory_space<hbm>> -> memref<8192x1024xf32, #tpu.memory_space<hbm>>
    tpu.wait_indirect_dma semaphore(%arg17 : memref<!tpu.dma_semaphore, #tpu.memory_space<semaphore_mem>>) src(%dma_wait3A_117 : memref<8192x1024xf32, #tpu.memory_space<hbm>>) dst(%arg9 : memref<8x1024xf32, #tpu.memory_space<vmem>>)
    %scan3A_118 = arith.constant 0 : i32
    %scan3A_119 = arith.constant 0 : i32
    %scan3A_120 = arith.constant 8 : i32
    %scan3A_121 = arith.addi %scan3A_119, %scan3A_120 : i32
    %scan3A_122 = arith.constant 1 : i32
    scf.for %scan3A_326 = %scan3A_119 to %scan3A_121 step %scan3A_122  : i32 {
      %parallel_loop3A = arith.constant 0 : i32
      %parallel_loop3A_327 = arith.constant 64 : i32
      %parallel_loop3A_328 = arith.constant 1 : i32
      scf.for %parallel_loop3A_329 = %parallel_loop3A to %parallel_loop3A_327 step %parallel_loop3A_328  : i32 {
        %parallel_loop3A_330 = arith.constant 16 : i32
        %parallel_loop3A_331 = arith.muli %parallel_loop3A_329, %parallel_loop3A_330 : i32
        %parallel_loop3A_332 = arith.constant 16 : i32
        %parallel_loop3A_333 = arith.muli %parallel_loop3A_329, %parallel_loop3A_332 : i32
        %parallel_loop3A_334 = arith.index_cast %scan3A_326 : i32 to index
        %parallel_loop3A_335 = arith.index_cast %parallel_loop3A_333 : i32 to index
        %parallel_loop3A_336 = tpu.vector_load %arg9[%parallel_loop3A_334, %parallel_loop3A_335] {strides = array<i32>} : memref<8x1024xf32, #tpu.memory_space<vmem>>, vector<1x16xf32>,
        %parallel_loop3A_337 = vector.shape_cast %parallel_loop3A_336 : vector<1x16xf32> to vector<16xf32>
        %parallel_loop3A_338 = arith.index_cast %scan3A_326 : i32 to index
        %parallel_loop3A_339 = arith.index_cast %parallel_loop3A_331 : i32 to index
        %parallel_loop3A_340 = tpu.vector_load %arg13[%parallel_loop3A_338, %parallel_loop3A_339] {strides = array<i32>} : memref<8x1024xf32, #tpu.memory_space<vmem>>, vector<1x16xf32>,
        %parallel_loop3A_341 = vector.shape_cast %parallel_loop3A_340 : vector<1x16xf32> to vector<16xf32>
        %parallel_loop3A_342 = vector.shape_cast %parallel_loop3A_337 : vector<16xf32> to vector<1x16xf32>
        tpu.vector_store %arg13[%parallel_loop3A_338, %parallel_loop3A_339], %parallel_loop3A_342 {add = true, strides = array<i32>} : memref<8x1024xf32, #tpu.memory_space<vmem>>, vector<1x16xf32>,
      } {sc.loop_unroll_factor = 8 : i64, sc.parallel_access}
    }
    %scan3A_123 = arith.constant 8 : i32
    %add3A_124 = arith.constant 16 : i32
    %add3A_125 = arith.addi %mul3A_2, %add3A_124 : i32
    %dma_start3A_126 = arith.constant 0 : i32
    %dma_start3A_127 = tpu.memref_slice %arg5[%add3A_125, %dma_start3A_126] : memref<32768x1024xf32, #tpu.memory_space<hbm>> -> memref<8x1024xf32, #tpu.memory_space<hbm>>
    %dma_start3A_128 = arith.constant 0 : i32
    %dma_start3A_129 = tpu.memref_slice %arg5[%add3A_125, %dma_start3A_128] : memref<32768x1024xf32, #tpu.memory_space<hbm>> -> memref<8x1024xf32, #tpu.memory_space<hbm>>
    tpu.enqueue_dma source(%arg13 : memref<8x1024xf32, #tpu.memory_space<vmem>>) target(%dma_start3A_129 : memref<8x1024xf32, #tpu.memory_space<hbm>>) target_semaphore(%arg21 : memref<!tpu.dma_semaphore, #tpu.memory_space<semaphore_mem>>)
    %add3A_130 = arith.constant 8 : i32
    %add3A_131 = arith.addi %mul3A_2, %add3A_130 : i32
    %dma_wait3A_132 = arith.constant 0 : i32
    %dma_wait3A_133 = tpu.memref_slice %arg5[%add3A_131, %dma_wait3A_132] : memref<32768x1024xf32, #tpu.memory_space<hbm>> -> memref<8x1024xf32, #tpu.memory_space<hbm>>
    %dma_wait3A_134 = arith.constant 0 : i32
    %dma_wait3A_135 = tpu.memref_slice %arg5[%add3A_131, %dma_wait3A_134] : memref<32768x1024xf32, #tpu.memory_space<hbm>> -> memref<8x1024xf32, #tpu.memory_space<hbm>>
    tpu.wait_dma2 semaphore(%arg20 : memref<!tpu.dma_semaphore, #tpu.memory_space<semaphore_mem>>) src(%arg12 : memref<8x1024xf32, #tpu.memory_space<vmem>>) dst(%dma_wait3A_135 : memref<8x1024xf32, #tpu.memory_space<hbm>>)
    %add3A_136 = arith.constant 40 : i32
    %add3A_137 = arith.addi %mul3A_2, %add3A_136 : i32
    %dma_start3A_138 = arith.constant 0 : i32
    %dma_start3A_139 = tpu.memref_slice %arg2[%add3A_137, %dma_start3A_138] : memref<32768x1024xf32, #tpu.memory_space<hbm>> -> memref<8x1024xf32, #tpu.memory_space<hbm>>
    %dma_start3A_140 = arith.constant 0 : i32
    %dma_start3A_141 = tpu.memref_slice %arg2[%add3A_137, %dma_start3A_140] : memref<32768x1024xf32, #tpu.memory_space<hbm>> -> memref<8x1024xf32, #tpu.memory_space<hbm>>
    tpu.enqueue_dma source(%dma_start3A_141 : memref<8x1024xf32, #tpu.memory_space<hbm>>) target(%arg12 : memref<8x1024xf32, #tpu.memory_space<vmem>>) target_semaphore(%arg16 : memref<!tpu.dma_semaphore, #tpu.memory_space<semaphore_mem>>)
    %dma_start3A_142 = arith.constant 40 : i32
    %dma_start3A_143 = tpu.memref_slice %arg6[%dma_start3A_142] : memref<1024xi32, #tpu.memory_space<vmem>> -> memref<8xi32, #tpu.memory_space<vmem>>
    %dma_start3A_144 = arith.constant 0 : i32
    %dma_start3A_145 = arith.constant 0 : i32
    %dma_start3A_146 = tpu.memref_slice %arg4[%dma_start3A_144, %dma_start3A_145] : memref<8192x1024xf32, #tpu.memory_space<hbm>> -> memref<8192x1024xf32, #tpu.memory_space<hbm>>
    tpu.enqueue_indirect_dma source(%dma_start3A_146 : memref<8192x1024xf32, #tpu.memory_space<hbm>>) target(%arg8 : memref<8x1024xf32, #tpu.memory_space<vmem>>) offsets(%dma_start3A_143 : memref<8xi32, #tpu.memory_space<vmem>>) semaphore(%arg16 : memref<!tpu.dma_semaphore, #tpu.memory_space<semaphore_mem>>)
    %add3A_147 = arith.constant 24 : i32
    %add3A_148 = arith.addi %mul3A_2, %add3A_147 : i32
    %dma_wait3A_149 = arith.constant 0 : i32
    %dma_wait3A_150 = tpu.memref_slice %arg2[%add3A_148, %dma_wait3A_149] : memref<32768x1024xf32, #tpu.memory_space<hbm>> -> memref<8x1024xf32, #tpu.memory_space<hbm>>
    %dma_wait3A_151 = arith.constant 0 : i32
    %dma_wait3A_152 = tpu.memref_slice %arg2[%add3A_148, %dma_wait3A_151] : memref<32768x1024xf32, #tpu.memory_space<hbm>> -> memref<8x1024xf32, #tpu.memory_space<hbm>>
    tpu.wait_dma2 semaphore(%arg18 : memref<!tpu.dma_semaphore, #tpu.memory_space<semaphore_mem>>) src(%dma_wait3A_152 : memref<8x1024xf32, #tpu.memory_space<hbm>>) dst(%arg14 : memref<8x1024xf32, #tpu.memory_space<vmem>>)
    %dma_wait3A_153 = arith.constant 24 : i32
    %dma_wait3A_154 = tpu.memref_slice %arg6[%dma_wait3A_153] : memref<1024xi32, #tpu.memory_space<vmem>> -> memref<8xi32, #tpu.memory_space<vmem>>
    %dma_wait3A_155 = arith.constant 0 : i32
    %dma_wait3A_156 = arith.constant 0 : i32
    %dma_wait3A_157 = tpu.memref_slice %arg4[%dma_wait3A_155, %dma_wait3A_156] : memref<8192x1024xf32, #tpu.memory_space<hbm>> -> memref<8192x1024xf32, #tpu.memory_space<hbm>>
    tpu.wait_indirect_dma semaphore(%arg18 : memref<!tpu.dma_semaphore, #tpu.memory_space<semaphore_mem>>) src(%dma_wait3A_157 : memref<8192x1024xf32, #tpu.memory_space<hbm>>) dst(%arg10 : memref<8x1024xf32, #tpu.memory_space<vmem>>)
    %scan3A_158 = arith.constant 0 : i32
    %scan3A_159 = arith.constant 0 : i32
    %scan3A_160 = arith.constant 8 : i32
    %scan3A_161 = arith.addi %scan3A_159, %scan3A_160 : i32
    %scan3A_162 = arith.constant 1 : i32
    scf.for %scan3A_326 = %scan3A_159 to %scan3A_161 step %scan3A_162  : i32 {
      %parallel_loop3A = arith.constant 0 : i32
      %parallel_loop3A_327 = arith.constant 64 : i32
      %parallel_loop3A_328 = arith.constant 1 : i32
      scf.for %parallel_loop3A_329 = %parallel_loop3A to %parallel_loop3A_327 step %parallel_loop3A_328  : i32 {
        %parallel_loop3A_330 = arith.constant 16 : i32
        %parallel_loop3A_331 = arith.muli %parallel_loop3A_329, %parallel_loop3A_330 : i32
        %parallel_loop3A_332 = arith.constant 16 : i32
        %parallel_loop3A_333 = arith.muli %parallel_loop3A_329, %parallel_loop3A_332 : i32
        %parallel_loop3A_334 = arith.index_cast %scan3A_326 : i32 to index
        %parallel_loop3A_335 = arith.index_cast %parallel_loop3A_333 : i32 to index
        %parallel_loop3A_336 = tpu.vector_load %arg10[%parallel_loop3A_334, %parallel_loop3A_335] {strides = array<i32>} : memref<8x1024xf32, #tpu.memory_space<vmem>>, vector<1x16xf32>,
        %parallel_loop3A_337 = vector.shape_cast %parallel_loop3A_336 : vector<1x16xf32> to vector<16xf32>
        %parallel_loop3A_338 = arith.index_cast %scan3A_326 : i32 to index
        %parallel_loop3A_339 = arith.index_cast %parallel_loop3A_331 : i32 to index
        %parallel_loop3A_340 = tpu.vector_load %arg14[%parallel_loop3A_338, %parallel_loop3A_339] {strides = array<i32>} : memref<8x1024xf32, #tpu.memory_space<vmem>>, vector<1x16xf32>,
        %parallel_loop3A_341 = vector.shape_cast %parallel_loop3A_340 : vector<1x16xf32> to vector<16xf32>
        %parallel_loop3A_342 = vector.shape_cast %parallel_loop3A_337 : vector<16xf32> to vector<1x16xf32>
        tpu.vector_store %arg14[%parallel_loop3A_338, %parallel_loop3A_339], %parallel_loop3A_342 {add = true, strides = array<i32>} : memref<8x1024xf32, #tpu.memory_space<vmem>>, vector<1x16xf32>,
      } {sc.loop_unroll_factor = 8 : i64, sc.parallel_access}
    }
    %scan3A_163 = arith.constant 8 : i32
    %add3A_164 = arith.constant 24 : i32
    %add3A_165 = arith.addi %mul3A_2, %add3A_164 : i32
    %dma_start3A_166 = arith.constant 0 : i32
    %dma_start3A_167 = tpu.memref_slice %arg5[%add3A_165, %dma_start3A_166] : memref<32768x1024xf32, #tpu.memory_space<hbm>> -> memref<8x1024xf32, #tpu.memory_space<hbm>>
    %dma_start3A_168 = arith.constant 0 : i32
    %dma_start3A_169 = tpu.memref_slice %arg5[%add3A_165, %dma_start3A_168] : memref<32768x1024xf32, #tpu.memory_space<hbm>> -> memref<8x1024xf32, #tpu.memory_space<hbm>>
    tpu.enqueue_dma source(%arg14 : memref<8x1024xf32, #tpu.memory_space<vmem>>) target(%dma_start3A_169 : memref<8x1024xf32, #tpu.memory_space<hbm>>) target_semaphore(%arg22 : memref<!tpu.dma_semaphore, #tpu.memory_space<semaphore_mem>>)
    %scan3A_170 = arith.constant 0 : i32
    %scan3A_171 = arith.constant 1 : i32
    %scan3A_172 = arith.constant 30 : i32
    %scan3A_173 = arith.addi %scan3A_171, %scan3A_172 : i32
    %scan3A_174 = arith.constant 1 : i32
    scf.for %scan3A_326 = %scan3A_171 to %scan3A_173 step %scan3A_174  : i32 {
      %mul3A_327 = arith.constant 4 : i32
      %mul3A_328 = arith.muli %scan3A_326, %mul3A_327 : i32
      %add3A_329 = arith.constant 0 : i32
      %add3A_330 = arith.addi %mul3A_328, %add3A_329 : i32
      %sub3A = arith.constant 2 : i32
      %sub3A_331 = arith.subi %add3A_330, %sub3A : i32
      %mul3A_332 = arith.constant 8 : i32
      %mul3A_333 = arith.muli %sub3A_331, %mul3A_332 : i32
      %add3A_334 = arith.addi %mul3A_2, %mul3A_333 : i32
      %dma_wait3A_335 = arith.constant 0 : i32
      %dma_wait3A_336 = tpu.memref_slice %arg5[%add3A_334, %dma_wait3A_335] : memref<32768x1024xf32, #tpu.memory_space<hbm>> -> memref<8x1024xf32, #tpu.memory_space<hbm>>
      %dma_wait3A_337 = arith.constant 0 : i32
      %dma_wait3A_338 = tpu.memref_slice %arg5[%add3A_334, %dma_wait3A_337] : memref<32768x1024xf32, #tpu.memory_space<hbm>> -> memref<8x1024xf32, #tpu.memory_space<hbm>>
      tpu.wait_dma2 semaphore(%arg21 : memref<!tpu.dma_semaphore, #tpu.memory_space<semaphore_mem>>) src(%arg13 : memref<8x1024xf32, #tpu.memory_space<vmem>>) dst(%dma_wait3A_338 : memref<8x1024xf32, #tpu.memory_space<hbm>>)
      %add3A_339 = arith.constant 2 : i32
      %add3A_340 = arith.addi %add3A_330, %add3A_339 : i32
      %mul3A_341 = arith.constant 8 : i32
      %mul3A_342 = arith.muli %add3A_340, %mul3A_341 : i32
      %add3A_343 = arith.addi %mul3A_2, %mul3A_342 : i32
      %mul3A_344 = arith.constant 8 : i32
      %mul3A_345 = arith.muli %add3A_340, %mul3A_344 : i32
      %dma_start3A_346 = arith.constant 0 : i32
      %dma_start3A_347 = tpu.memref_slice %arg2[%add3A_343, %dma_start3A_346] : memref<32768x1024xf32, #tpu.memory_space<hbm>> -> memref<8x1024xf32, #tpu.memory_space<hbm>>
      %dma_start3A_348 = arith.constant 0 : i32
      %dma_start3A_349 = tpu.memref_slice %arg2[%add3A_343, %dma_start3A_348] : memref<32768x1024xf32, #tpu.memory_space<hbm>> -> memref<8x1024xf32, #tpu.memory_space<hbm>>
      tpu.enqueue_dma source(%dma_start3A_349 : memref<8x1024xf32, #tpu.memory_space<hbm>>) target(%arg13 : memref<8x1024xf32, #tpu.memory_space<vmem>>) target_semaphore(%arg17 : memref<!tpu.dma_semaphore, #tpu.memory_space<semaphore_mem>>)
      %dma_start3A_350 = tpu.memref_slice %arg6[%mul3A_345] : memref<1024xi32, #tpu.memory_space<vmem>> -> memref<8xi32, #tpu.memory_space<vmem>>
      %dma_start3A_351 = arith.constant 0 : i32
      %dma_start3A_352 = arith.constant 0 : i32
      %dma_start3A_353 = tpu.memref_slice %arg4[%dma_start3A_351, %dma_start3A_352] : memref<8192x1024xf32, #tpu.memory_space<hbm>> -> memref<8192x1024xf32, #tpu.memory_space<hbm>>
      tpu.enqueue_indirect_dma source(%dma_start3A_353 : memref<8192x1024xf32, #tpu.memory_space<hbm>>) target(%arg9 : memref<8x1024xf32, #tpu.memory_space<vmem>>) offsets(%dma_start3A_350 : memref<8xi32, #tpu.memory_space<vmem>>) semaphore(%arg17 : memref<!tpu.dma_semaphore, #tpu.memory_space<semaphore_mem>>)
      %mul3A_354 = arith.constant 8 : i32
      %mul3A_355 = arith.muli %add3A_330, %mul3A_354 : i32
      %add3A_356 = arith.addi %mul3A_2, %mul3A_355 : i32
      %mul3A_357 = arith.constant 8 : i32
      %mul3A_358 = arith.muli %add3A_330, %mul3A_357 : i32
      %dma_wait3A_359 = arith.constant 0 : i32
      %dma_wait3A_360 = tpu.memref_slice %arg2[%add3A_356, %dma_wait3A_359] : memref<32768x1024xf32, #tpu.memory_space<hbm>> -> memref<8x1024xf32, #tpu.memory_space<hbm>>
      %dma_wait3A_361 = arith.constant 0 : i32
      %dma_wait3A_362 = tpu.memref_slice %arg2[%add3A_356, %dma_wait3A_361] : memref<32768x1024xf32, #tpu.memory_space<hbm>> -> memref<8x1024xf32, #tpu.memory_space<hbm>>
      tpu.wait_dma2 semaphore(%arg15 : memref<!tpu.dma_semaphore, #tpu.memory_space<semaphore_mem>>) src(%dma_wait3A_362 : memref<8x1024xf32, #tpu.memory_space<hbm>>) dst(%arg11 : memref<8x1024xf32, #tpu.memory_space<vmem>>)
      %dma_wait3A_363 = tpu.memref_slice %arg6[%mul3A_358] : memref<1024xi32, #tpu.memory_space<vmem>> -> memref<8xi32, #tpu.memory_space<vmem>>
      %dma_wait3A_364 = arith.constant 0 : i32
      %dma_wait3A_365 = arith.constant 0 : i32
      %dma_wait3A_366 = tpu.memref_slice %arg4[%dma_wait3A_364, %dma_wait3A_365] : memref<8192x1024xf32, #tpu.memory_space<hbm>> -> memref<8192x1024xf32, #tpu.memory_space<hbm>>
      tpu.wait_indirect_dma semaphore(%arg15 : memref<!tpu.dma_semaphore, #tpu.memory_space<semaphore_mem>>) src(%dma_wait3A_366 : memref<8192x1024xf32, #tpu.memory_space<hbm>>) dst(%arg7 : memref<8x1024xf32, #tpu.memory_space<vmem>>)
      %scan3A_367 = arith.constant 0 : i32
      %scan3A_368 = arith.constant 0 : i32
      %scan3A_369 = arith.constant 8 : i32
      %scan3A_370 = arith.addi %scan3A_368, %scan3A_369 : i32
      %scan3A_371 = arith.constant 1 : i32
      scf.for %scan3A_542 = %scan3A_368 to %scan3A_370 step %scan3A_371  : i32 {
        %parallel_loop3A = arith.constant 0 : i32
        %parallel_loop3A_543 = arith.constant 64 : i32
        %parallel_loop3A_544 = arith.constant 1 : i32
        scf.for %parallel_loop3A_545 = %parallel_loop3A to %parallel_loop3A_543 step %parallel_loop3A_544  : i32 {
          %parallel_loop3A_546 = arith.constant 16 : i32
          %parallel_loop3A_547 = arith.muli %parallel_loop3A_545, %parallel_loop3A_546 : i32
          %parallel_loop3A_548 = arith.constant 16 : i32
          %parallel_loop3A_549 = arith.muli %parallel_loop3A_545, %parallel_loop3A_548 : i32
          %parallel_loop3A_550 = arith.index_cast %scan3A_542 : i32 to index
          %parallel_loop3A_551 = arith.index_cast %parallel_loop3A_549 : i32 to index
          %parallel_loop3A_552 = tpu.vector_load %arg7[%parallel_loop3A_550, %parallel_loop3A_551] {strides = array<i32>} : memref<8x1024xf32, #tpu.memory_space<vmem>>, vector<1x16xf32>,
          %parallel_loop3A_553 = vector.shape_cast %parallel_loop3A_552 : vector<1x16xf32> to vector<16xf32>
          %parallel_loop3A_554 = arith.index_cast %scan3A_542 : i32 to index
          %parallel_loop3A_555 = arith.index_cast %parallel_loop3A_547 : i32 to index
          %parallel_loop3A_556 = tpu.vector_load %arg11[%parallel_loop3A_554, %parallel_loop3A_555] {strides = array<i32>} : memref<8x1024xf32, #tpu.memory_space<vmem>>, vector<1x16xf32>,
          %parallel_loop3A_557 = vector.shape_cast %parallel_loop3A_556 : vector<1x16xf32> to vector<16xf32>
          %parallel_loop3A_558 = vector.shape_cast %parallel_loop3A_553 : vector<16xf32> to vector<1x16xf32>
          tpu.vector_store %arg11[%parallel_loop3A_554, %parallel_loop3A_555], %parallel_loop3A_558 {add = true, strides = array<i32>} : memref<8x1024xf32, #tpu.memory_space<vmem>>, vector<1x16xf32>,
        } {sc.loop_unroll_factor = 8 : i64, sc.parallel_access}
      }
      %scan3A_372 = arith.constant 8 : i32
      %mul3A_373 = arith.constant 8 : i32
      %mul3A_374 = arith.muli %add3A_330, %mul3A_373 : i32
      %add3A_375 = arith.addi %mul3A_2, %mul3A_374 : i32
      %dma_start3A_376 = arith.constant 0 : i32
      %dma_start3A_377 = tpu.memref_slice %arg5[%add3A_375, %dma_start3A_376] : memref<32768x1024xf32, #tpu.memory_space<hbm>> -> memref<8x1024xf32, #tpu.memory_space<hbm>>
      %dma_start3A_378 = arith.constant 0 : i32
      %dma_start3A_379 = tpu.memref_slice %arg5[%add3A_375, %dma_start3A_378] : memref<32768x1024xf32, #tpu.memory_space<hbm>> -> memref<8x1024xf32, #tpu.memory_space<hbm>>
      tpu.enqueue_dma source(%arg11 : memref<8x1024xf32, #tpu.memory_space<vmem>>) target(%dma_start3A_379 : memref<8x1024xf32, #tpu.memory_space<hbm>>) target_semaphore(%arg19 : memref<!tpu.dma_semaphore, #tpu.memory_space<semaphore_mem>>)
      %mul3A_380 = arith.constant 4 : i32
      %mul3A_381 = arith.muli %scan3A_326, %mul3A_380 : i32
      %add3A_382 = arith.constant 1 : i32
      %add3A_383 = arith.addi %mul3A_381, %add3A_382 : i32
      %sub3A_384 = arith.constant 2 : i32
      %sub3A_385 = arith.subi %add3A_383, %sub3A_384 : i32
      %mul3A_386 = arith.constant 8 : i32
      %mul3A_387 = arith.muli %sub3A_385, %mul3A_386 : i32
      %add3A_388 = arith.addi %mul3A_2, %mul3A_387 : i32
      %dma_wait3A_389 = arith.constant 0 : i32
      %dma_wait3A_390 = tpu.memref_slice %arg5[%add3A_388, %dma_wait3A_389] : memref<32768x1024xf32, #tpu.memory_space<hbm>> -> memref<8x1024xf32, #tpu.memory_space<hbm>>
      %dma_wait3A_391 = arith.constant 0 : i32
      %dma_wait3A_392 = tpu.memref_slice %arg5[%add3A_388, %dma_wait3A_391] : memref<32768x1024xf32, #tpu.memory_space<hbm>> -> memref<8x1024xf32, #tpu.memory_space<hbm>>
      tpu.wait_dma2 semaphore(%arg22 : memref<!tpu.dma_semaphore, #tpu.memory_space<semaphore_mem>>) src(%arg14 : memref<8x1024xf32, #tpu.memory_space<vmem>>) dst(%dma_wait3A_392 : memref<8x1024xf32, #tpu.memory_space<hbm>>)
      %add3A_393 = arith.constant 2 : i32
      %add3A_394 = arith.addi %add3A_383, %add3A_393 : i32
      %mul3A_395 = arith.constant 8 : i32
      %mul3A_396 = arith.muli %add3A_394, %mul3A_395 : i32
      %add3A_397 = arith.addi %mul3A_2, %mul3A_396 : i32
      %mul3A_398 = arith.constant 8 : i32
      %mul3A_399 = arith.muli %add3A_394, %mul3A_398 : i32
      %dma_start3A_400 = arith.constant 0 : i32
      %dma_start3A_401 = tpu.memref_slice %arg2[%add3A_397, %dma_start3A_400] : memref<32768x1024xf32, #tpu.memory_space<hbm>> -> memref<8x1024xf32, #tpu.memory_space<hbm>>
      %dma_start3A_402 = arith.constant 0 : i32
      %dma_start3A_403 = tpu.memref_slice %arg2[%add3A_397, %dma_start3A_402] : memref<32768x1024xf32, #tpu.memory_space<hbm>> -> memref<8x1024xf32, #tpu.memory_space<hbm>>
      tpu.enqueue_dma source(%dma_start3A_403 : memref<8x1024xf32, #tpu.memory_space<hbm>>) target(%arg14 : memref<8x1024xf32, #tpu.memory_space<vmem>>) target_semaphore(%arg18 : memref<!tpu.dma_semaphore, #tpu.memory_space<semaphore_mem>>)
      %dma_start3A_404 = tpu.memref_slice %arg6[%mul3A_399] : memref<1024xi32, #tpu.memory_space<vmem>> -> memref<8xi32, #tpu.memory_space<vmem>>
      %dma_start3A_405 = arith.constant 0 : i32
      %dma_start3A_406 = arith.constant 0 : i32
      %dma_start3A_407 = tpu.memref_slice %arg4[%dma_start3A_405, %dma_start3A_406] : memref<8192x1024xf32, #tpu.memory_space<hbm>> -> memref<8192x1024xf32, #tpu.memory_space<hbm>>
      tpu.enqueue_indirect_dma source(%dma_start3A_407 : memref<8192x1024xf32, #tpu.memory_space<hbm>>) target(%arg10 : memref<8x1024xf32, #tpu.memory_space<vmem>>) offsets(%dma_start3A_404 : memref<8xi32, #tpu.memory_space<vmem>>) semaphore(%arg18 : memref<!tpu.dma_semaphore, #tpu.memory_space<semaphore_mem>>)
      %mul3A_408 = arith.constant 8 : i32
      %mul3A_409 = arith.muli %add3A_383, %mul3A_408 : i32
      %add3A_410 = arith.addi %mul3A_2, %mul3A_409 : i32
      %mul3A_411 = arith.constant 8 : i32
      %mul3A_412 = arith.muli %add3A_383, %mul3A_411 : i32
      %dma_wait3A_413 = arith.constant 0 : i32
      %dma_wait3A_414 = tpu.memref_slice %arg2[%add3A_410, %dma_wait3A_413] : memref<32768x1024xf32, #tpu.memory_space<hbm>> -> memref<8x1024xf32, #tpu.memory_space<hbm>>
      %dma_wait3A_415 = arith.constant 0 : i32
      %dma_wait3A_416 = tpu.memref_slice %arg2[%add3A_410, %dma_wait3A_415] : memref<32768x1024xf32, #tpu.memory_space<hbm>> -> memref<8x1024xf32, #tpu.memory_space<hbm>>
      tpu.wait_dma2 semaphore(%arg16 : memref<!tpu.dma_semaphore, #tpu.memory_space<semaphore_mem>>) src(%dma_wait3A_416 : memref<8x1024xf32, #tpu.memory_space<hbm>>) dst(%arg12 : memref<8x1024xf32, #tpu.memory_space<vmem>>)
      %dma_wait3A_417 = tpu.memref_slice %arg6[%mul3A_412] : memref<1024xi32, #tpu.memory_space<vmem>> -> memref<8xi32, #tpu.memory_space<vmem>>
      %dma_wait3A_418 = arith.constant 0 : i32
      %dma_wait3A_419 = arith.constant 0 : i32
      %dma_wait3A_420 = tpu.memref_slice %arg4[%dma_wait3A_418, %dma_wait3A_419] : memref<8192x1024xf32, #tpu.memory_space<hbm>> -> memref<8192x1024xf32, #tpu.memory_space<hbm>>
      tpu.wait_indirect_dma semaphore(%arg16 : memref<!tpu.dma_semaphore, #tpu.memory_space<semaphore_mem>>) src(%dma_wait3A_420 : memref<8192x1024xf32, #tpu.memory_space<hbm>>) dst(%arg8 : memref<8x1024xf32, #tpu.memory_space<vmem>>)
      %scan3A_421 = arith.constant 0 : i32
      %scan3A_422 = arith.constant 0 : i32
      %scan3A_423 = arith.constant 8 : i32
      %scan3A_424 = arith.addi %scan3A_422, %scan3A_423 : i32
      %scan3A_425 = arith.constant 1 : i32
      scf.for %scan3A_542 = %scan3A_422 to %scan3A_424 step %scan3A_425  : i32 {
        %parallel_loop3A = arith.constant 0 : i32
        %parallel_loop3A_543 = arith.constant 64 : i32
        %parallel_loop3A_544 = arith.constant 1 : i32
        scf.for %parallel_loop3A_545 = %parallel_loop3A to %parallel_loop3A_543 step %parallel_loop3A_544  : i32 {
          %parallel_loop3A_546 = arith.constant 16 : i32
          %parallel_loop3A_547 = arith.muli %parallel_loop3A_545, %parallel_loop3A_546 : i32
          %parallel_loop3A_548 = arith.constant 16 : i32
          %parallel_loop3A_549 = arith.muli %parallel_loop3A_545, %parallel_loop3A_548 : i32
          %parallel_loop3A_550 = arith.index_cast %scan3A_542 : i32 to index
          %parallel_loop3A_551 = arith.index_cast %parallel_loop3A_549 : i32 to index
          %parallel_loop3A_552 = tpu.vector_load %arg8[%parallel_loop3A_550, %parallel_loop3A_551] {strides = array<i32>} : memref<8x1024xf32, #tpu.memory_space<vmem>>, vector<1x16xf32>,
          %parallel_loop3A_553 = vector.shape_cast %parallel_loop3A_552 : vector<1x16xf32> to vector<16xf32>
          %parallel_loop3A_554 = arith.index_cast %scan3A_542 : i32 to index
          %parallel_loop3A_555 = arith.index_cast %parallel_loop3A_547 : i32 to index
          %parallel_loop3A_556 = tpu.vector_load %arg12[%parallel_loop3A_554, %parallel_loop3A_555] {strides = array<i32>} : memref<8x1024xf32, #tpu.memory_space<vmem>>, vector<1x16xf32>,
          %parallel_loop3A_557 = vector.shape_cast %parallel_loop3A_556 : vector<1x16xf32> to vector<16xf32>
          %parallel_loop3A_558 = vector.shape_cast %parallel_loop3A_553 : vector<16xf32> to vector<1x16xf32>
          tpu.vector_store %arg12[%parallel_loop3A_554, %parallel_loop3A_555], %parallel_loop3A_558 {add = true, strides = array<i32>} : memref<8x1024xf32, #tpu.memory_space<vmem>>, vector<1x16xf32>,
        } {sc.loop_unroll_factor = 8 : i64, sc.parallel_access}
      }
      %scan3A_426 = arith.constant 8 : i32
      %mul3A_427 = arith.constant 8 : i32
      %mul3A_428 = arith.muli %add3A_383, %mul3A_427 : i32
      %add3A_429 = arith.addi %mul3A_2, %mul3A_428 : i32
      %dma_start3A_430 = arith.constant 0 : i32
      %dma_start3A_431 = tpu.memref_slice %arg5[%add3A_429, %dma_start3A_430] : memref<32768x1024xf32, #tpu.memory_space<hbm>> -> memref<8x1024xf32, #tpu.memory_space<hbm>>
      %dma_start3A_432 = arith.constant 0 : i32
      %dma_start3A_433 = tpu.memref_slice %arg5[%add3A_429, %dma_start3A_432] : memref<32768x1024xf32, #tpu.memory_space<hbm>> -> memref<8x1024xf32, #tpu.memory_space<hbm>>
      tpu.enqueue_dma source(%arg12 : memref<8x1024xf32, #tpu.memory_space<vmem>>) target(%dma_start3A_433 : memref<8x1024xf32, #tpu.memory_space<hbm>>) target_semaphore(%arg20 : memref<!tpu.dma_semaphore, #tpu.memory_space<semaphore_mem>>)
      %mul3A_434 = arith.constant 4 : i32
      %mul3A_435 = arith.muli %scan3A_326, %mul3A_434 : i32
      %add3A_436 = arith.constant 2 : i32
      %add3A_437 = arith.addi %mul3A_435, %add3A_436 : i32
      %sub3A_438 = arith.constant 2 : i32
      %sub3A_439 = arith.subi %add3A_437, %sub3A_438 : i32
      %mul3A_440 = arith.constant 8 : i32
      %mul3A_441 = arith.muli %sub3A_439, %mul3A_440 : i32
      %add3A_442 = arith.addi %mul3A_2, %mul3A_441 : i32
      %dma_wait3A_443 = arith.constant 0 : i32
      %dma_wait3A_444 = tpu.memref_slice %arg5[%add3A_442, %dma_wait3A_443] : memref<32768x1024xf32, #tpu.memory_space<hbm>> -> memref<8x1024xf32, #tpu.memory_space<hbm>>
      %dma_wait3A_445 = arith.constant 0 : i32
      %dma_wait3A_446 = tpu.memref_slice %arg5[%add3A_442, %dma_wait3A_445] : memref<32768x1024xf32, #tpu.memory_space<hbm>> -> memref<8x1024xf32, #tpu.memory_space<hbm>>
      tpu.wait_dma2 semaphore(%arg19 : memref<!tpu.dma_semaphore, #tpu.memory_space<semaphore_mem>>) src(%arg11 : memref<8x1024xf32, #tpu.memory_space<vmem>>) dst(%dma_wait3A_446 : memref<8x1024xf32, #tpu.memory_space<hbm>>)
      %add3A_447 = arith.constant 2 : i32
      %add3A_448 = arith.addi %add3A_437, %add3A_447 : i32
      %mul3A_449 = arith.constant 8 : i32
      %mul3A_450 = arith.muli %add3A_448, %mul3A_449 : i32
      %add3A_451 = arith.addi %mul3A_2, %mul3A_450 : i32
      %mul3A_452 = arith.constant 8 : i32
      %mul3A_453 = arith.muli %add3A_448, %mul3A_452 : i32
      %dma_start3A_454 = arith.constant 0 : i32
      %dma_start3A_455 = tpu.memref_slice %arg2[%add3A_451, %dma_start3A_454] : memref<32768x1024xf32, #tpu.memory_space<hbm>> -> memref<8x1024xf32, #tpu.memory_space<hbm>>
      %dma_start3A_456 = arith.constant 0 : i32
      %dma_start3A_457 = tpu.memref_slice %arg2[%add3A_451, %dma_start3A_456] : memref<32768x1024xf32, #tpu.memory_space<hbm>> -> memref<8x1024xf32, #tpu.memory_space<hbm>>
      tpu.enqueue_dma source(%dma_start3A_457 : memref<8x1024xf32, #tpu.memory_space<hbm>>) target(%arg11 : memref<8x1024xf32, #tpu.memory_space<vmem>>) target_semaphore(%arg15 : memref<!tpu.dma_semaphore, #tpu.memory_space<semaphore_mem>>)
      %dma_start3A_458 = tpu.memref_slice %arg6[%mul3A_453] : memref<1024xi32, #tpu.memory_space<vmem>> -> memref<8xi32, #tpu.memory_space<vmem>>
      %dma_start3A_459 = arith.constant 0 : i32
      %dma_start3A_460 = arith.constant 0 : i32
      %dma_start3A_461 = tpu.memref_slice %arg4[%dma_start3A_459, %dma_start3A_460] : memref<8192x1024xf32, #tpu.memory_space<hbm>> -> memref<8192x1024xf32, #tpu.memory_space<hbm>>
      tpu.enqueue_indirect_dma source(%dma_start3A_461 : memref<8192x1024xf32, #tpu.memory_space<hbm>>) target(%arg7 : memref<8x1024xf32, #tpu.memory_space<vmem>>) offsets(%dma_start3A_458 : memref<8xi32, #tpu.memory_space<vmem>>) semaphore(%arg15 : memref<!tpu.dma_semaphore, #tpu.memory_space<semaphore_mem>>)
      %mul3A_462 = arith.constant 8 : i32
      %mul3A_463 = arith.muli %add3A_437, %mul3A_462 : i32
      %add3A_464 = arith.addi %mul3A_2, %mul3A_463 : i32
      %mul3A_465 = arith.constant 8 : i32
      %mul3A_466 = arith.muli %add3A_437, %mul3A_465 : i32
      %dma_wait3A_467 = arith.constant 0 : i32
      %dma_wait3A_468 = tpu.memref_slice %arg2[%add3A_464, %dma_wait3A_467] : memref<32768x1024xf32, #tpu.memory_space<hbm>> -> memref<8x1024xf32, #tpu.memory_space<hbm>>
      %dma_wait3A_469 = arith.constant 0 : i32
      %dma_wait3A_470 = tpu.memref_slice %arg2[%add3A_464, %dma_wait3A_469] : memref<32768x1024xf32, #tpu.memory_space<hbm>> -> memref<8x1024xf32, #tpu.memory_space<hbm>>
      tpu.wait_dma2 semaphore(%arg17 : memref<!tpu.dma_semaphore, #tpu.memory_space<semaphore_mem>>) src(%dma_wait3A_470 : memref<8x1024xf32, #tpu.memory_space<hbm>>) dst(%arg13 : memref<8x1024xf32, #tpu.memory_space<vmem>>)
      %dma_wait3A_471 = tpu.memref_slice %arg6[%mul3A_466] : memref<1024xi32, #tpu.memory_space<vmem>> -> memref<8xi32, #tpu.memory_space<vmem>>
      %dma_wait3A_472 = arith.constant 0 : i32
      %dma_wait3A_473 = arith.constant 0 : i32
      %dma_wait3A_474 = tpu.memref_slice %arg4[%dma_wait3A_472, %dma_wait3A_473] : memref<8192x1024xf32, #tpu.memory_space<hbm>> -> memref<8192x1024xf32, #tpu.memory_space<hbm>>
      tpu.wait_indirect_dma semaphore(%arg17 : memref<!tpu.dma_semaphore, #tpu.memory_space<semaphore_mem>>) src(%dma_wait3A_474 : memref<8192x1024xf32, #tpu.memory_space<hbm>>) dst(%arg9 : memref<8x1024xf32, #tpu.memory_space<vmem>>)
      %scan3A_475 = arith.constant 0 : i32
      %scan3A_476 = arith.constant 0 : i32
      %scan3A_477 = arith.constant 8 : i32
      %scan3A_478 = arith.addi %scan3A_476, %scan3A_477 : i32
      %scan3A_479 = arith.constant 1 : i32
      scf.for %scan3A_542 = %scan3A_476 to %scan3A_478 step %scan3A_479  : i32 {
        %parallel_loop3A = arith.constant 0 : i32
        %parallel_loop3A_543 = arith.constant 64 : i32
        %parallel_loop3A_544 = arith.constant 1 : i32
        scf.for %parallel_loop3A_545 = %parallel_loop3A to %parallel_loop3A_543 step %parallel_loop3A_544  : i32 {
          %parallel_loop3A_546 = arith.constant 16 : i32
          %parallel_loop3A_547 = arith.muli %parallel_loop3A_545, %parallel_loop3A_546 : i32
          %parallel_loop3A_548 = arith.constant 16 : i32
          %parallel_loop3A_549 = arith.muli %parallel_loop3A_545, %parallel_loop3A_548 : i32
          %parallel_loop3A_550 = arith.index_cast %scan3A_542 : i32 to index
          %parallel_loop3A_551 = arith.index_cast %parallel_loop3A_549 : i32 to index
          %parallel_loop3A_552 = tpu.vector_load %arg9[%parallel_loop3A_550, %parallel_loop3A_551] {strides = array<i32>} : memref<8x1024xf32, #tpu.memory_space<vmem>>, vector<1x16xf32>,
          %parallel_loop3A_553 = vector.shape_cast %parallel_loop3A_552 : vector<1x16xf32> to vector<16xf32>
          %parallel_loop3A_554 = arith.index_cast %scan3A_542 : i32 to index
          %parallel_loop3A_555 = arith.index_cast %parallel_loop3A_547 : i32 to index
          %parallel_loop3A_556 = tpu.vector_load %arg13[%parallel_loop3A_554, %parallel_loop3A_555] {strides = array<i32>} : memref<8x1024xf32, #tpu.memory_space<vmem>>, vector<1x16xf32>,
          %parallel_loop3A_557 = vector.shape_cast %parallel_loop3A_556 : vector<1x16xf32> to vector<16xf32>
          %parallel_loop3A_558 = vector.shape_cast %parallel_loop3A_553 : vector<16xf32> to vector<1x16xf32>
          tpu.vector_store %arg13[%parallel_loop3A_554, %parallel_loop3A_555], %parallel_loop3A_558 {add = true, strides = array<i32>} : memref<8x1024xf32, #tpu.memory_space<vmem>>, vector<1x16xf32>,
        } {sc.loop_unroll_factor = 8 : i64, sc.parallel_access}
      }
      %scan3A_480 = arith.constant 8 : i32
      %mul3A_481 = arith.constant 8 : i32
      %mul3A_482 = arith.muli %add3A_437, %mul3A_481 : i32
      %add3A_483 = arith.addi %mul3A_2, %mul3A_482 : i32
      %dma_start3A_484 = arith.constant 0 : i32
      %dma_start3A_485 = tpu.memref_slice %arg5[%add3A_483, %dma_start3A_484] : memref<32768x1024xf32, #tpu.memory_space<hbm>> -> memref<8x1024xf32, #tpu.memory_space<hbm>>
      %dma_start3A_486 = arith.constant 0 : i32
      %dma_start3A_487 = tpu.memref_slice %arg5[%add3A_483, %dma_start3A_486] : memref<32768x1024xf32, #tpu.memory_space<hbm>> -> memref<8x1024xf32, #tpu.memory_space<hbm>>
      tpu.enqueue_dma source(%arg13 : memref<8x1024xf32, #tpu.memory_space<vmem>>) target(%dma_start3A_487 : memref<8x1024xf32, #tpu.memory_space<hbm>>) target_semaphore(%arg21 : memref<!tpu.dma_semaphore, #tpu.memory_space<semaphore_mem>>)
      %mul3A_488 = arith.constant 4 : i32
      %mul3A_489 = arith.muli %scan3A_326, %mul3A_488 : i32
      %add3A_490 = arith.constant 3 : i32
      %add3A_491 = arith.addi %mul3A_489, %add3A_490 : i32
      %sub3A_492 = arith.constant 2 : i32
      %sub3A_493 = arith.subi %add3A_491, %sub3A_492 : i32
      %mul3A_494 = arith.constant 8 : i32
      %mul3A_495 = arith.muli %sub3A_493, %mul3A_494 : i32
      %add3A_496 = arith.addi %mul3A_2, %mul3A_495 : i32
      %dma_wait3A_497 = arith.constant 0 : i32
      %dma_wait3A_498 = tpu.memref_slice %arg5[%add3A_496, %dma_wait3A_497] : memref<32768x1024xf32, #tpu.memory_space<hbm>> -> memref<8x1024xf32, #tpu.memory_space<hbm>>
      %dma_wait3A_499 = arith.constant 0 : i32
      %dma_wait3A_500 = tpu.memref_slice %arg5[%add3A_496, %dma_wait3A_499] : memref<32768x1024xf32, #tpu.memory_space<hbm>> -> memref<8x1024xf32, #tpu.memory_space<hbm>>
      tpu.wait_dma2 semaphore(%arg20 : memref<!tpu.dma_semaphore, #tpu.memory_space<semaphore_mem>>) src(%arg12 : memref<8x1024xf32, #tpu.memory_space<vmem>>) dst(%dma_wait3A_500 : memref<8x1024xf32, #tpu.memory_space<hbm>>)
      %add3A_501 = arith.constant 2 : i32
      %add3A_502 = arith.addi %add3A_491, %add3A_501 : i32
      %mul3A_503 = arith.constant 8 : i32
      %mul3A_504 = arith.muli %add3A_502, %mul3A_503 : i32
      %add3A_505 = arith.addi %mul3A_2, %mul3A_504 : i32
      %mul3A_506 = arith.constant 8 : i32
      %mul3A_507 = arith.muli %add3A_502, %mul3A_506 : i32
      %dma_start3A_508 = arith.constant 0 : i32
      %dma_start3A_509 = tpu.memref_slice %arg2[%add3A_505, %dma_start3A_508] : memref<32768x1024xf32, #tpu.memory_space<hbm>> -> memref<8x1024xf32, #tpu.memory_space<hbm>>
      %dma_start3A_510 = arith.constant 0 : i32
      %dma_start3A_511 = tpu.memref_slice %arg2[%add3A_505, %dma_start3A_510] : memref<32768x1024xf32, #tpu.memory_space<hbm>> -> memref<8x1024xf32, #tpu.memory_space<hbm>>
      tpu.enqueue_dma source(%dma_start3A_511 : memref<8x1024xf32, #tpu.memory_space<hbm>>) target(%arg12 : memref<8x1024xf32, #tpu.memory_space<vmem>>) target_semaphore(%arg16 : memref<!tpu.dma_semaphore, #tpu.memory_space<semaphore_mem>>)
      %dma_start3A_512 = tpu.memref_slice %arg6[%mul3A_507] : memref<1024xi32, #tpu.memory_space<vmem>> -> memref<8xi32, #tpu.memory_space<vmem>>
      %dma_start3A_513 = arith.constant 0 : i32
      %dma_start3A_514 = arith.constant 0 : i32
      %dma_start3A_515 = tpu.memref_slice %arg4[%dma_start3A_513, %dma_start3A_514] : memref<8192x1024xf32, #tpu.memory_space<hbm>> -> memref<8192x1024xf32, #tpu.memory_space<hbm>>
      tpu.enqueue_indirect_dma source(%dma_start3A_515 : memref<8192x1024xf32, #tpu.memory_space<hbm>>) target(%arg8 : memref<8x1024xf32, #tpu.memory_space<vmem>>) offsets(%dma_start3A_512 : memref<8xi32, #tpu.memory_space<vmem>>) semaphore(%arg16 : memref<!tpu.dma_semaphore, #tpu.memory_space<semaphore_mem>>)
      %mul3A_516 = arith.constant 8 : i32
      %mul3A_517 = arith.muli %add3A_491, %mul3A_516 : i32
      %add3A_518 = arith.addi %mul3A_2, %mul3A_517 : i32
      %mul3A_519 = arith.constant 8 : i32
      %mul3A_520 = arith.muli %add3A_491, %mul3A_519 : i32
      %dma_wait3A_521 = arith.constant 0 : i32
      %dma_wait3A_522 = tpu.memref_slice %arg2[%add3A_518, %dma_wait3A_521] : memref<32768x1024xf32, #tpu.memory_space<hbm>> -> memref<8x1024xf32, #tpu.memory_space<hbm>>
      %dma_wait3A_523 = arith.constant 0 : i32
      %dma_wait3A_524 = tpu.memref_slice %arg2[%add3A_518, %dma_wait3A_523] : memref<32768x1024xf32, #tpu.memory_space<hbm>> -> memref<8x1024xf32, #tpu.memory_space<hbm>>
      tpu.wait_dma2 semaphore(%arg18 : memref<!tpu.dma_semaphore, #tpu.memory_space<semaphore_mem>>) src(%dma_wait3A_524 : memref<8x1024xf32, #tpu.memory_space<hbm>>) dst(%arg14 : memref<8x1024xf32, #tpu.memory_space<vmem>>)
      %dma_wait3A_525 = tpu.memref_slice %arg6[%mul3A_520] : memref<1024xi32, #tpu.memory_space<vmem>> -> memref<8xi32, #tpu.memory_space<vmem>>
      %dma_wait3A_526 = arith.constant 0 : i32
      %dma_wait3A_527 = arith.constant 0 : i32
      %dma_wait3A_528 = tpu.memref_slice %arg4[%dma_wait3A_526, %dma_wait3A_527] : memref<8192x1024xf32, #tpu.memory_space<hbm>> -> memref<8192x1024xf32, #tpu.memory_space<hbm>>
      tpu.wait_indirect_dma semaphore(%arg18 : memref<!tpu.dma_semaphore, #tpu.memory_space<semaphore_mem>>) src(%dma_wait3A_528 : memref<8192x1024xf32, #tpu.memory_space<hbm>>) dst(%arg10 : memref<8x1024xf32, #tpu.memory_space<vmem>>)
      %scan3A_529 = arith.constant 0 : i32
      %scan3A_530 = arith.constant 0 : i32
      %scan3A_531 = arith.constant 8 : i32
      %scan3A_532 = arith.addi %scan3A_530, %scan3A_531 : i32
      %scan3A_533 = arith.constant 1 : i32
      scf.for %scan3A_542 = %scan3A_530 to %scan3A_532 step %scan3A_533  : i32 {
        %parallel_loop3A = arith.constant 0 : i32
        %parallel_loop3A_543 = arith.constant 64 : i32
        %parallel_loop3A_544 = arith.constant 1 : i32
        scf.for %parallel_loop3A_545 = %parallel_loop3A to %parallel_loop3A_543 step %parallel_loop3A_544  : i32 {
          %parallel_loop3A_546 = arith.constant 16 : i32
          %parallel_loop3A_547 = arith.muli %parallel_loop3A_545, %parallel_loop3A_546 : i32
          %parallel_loop3A_548 = arith.constant 16 : i32
          %parallel_loop3A_549 = arith.muli %parallel_loop3A_545, %parallel_loop3A_548 : i32
          %parallel_loop3A_550 = arith.index_cast %scan3A_542 : i32 to index
          %parallel_loop3A_551 = arith.index_cast %parallel_loop3A_549 : i32 to index
          %parallel_loop3A_552 = tpu.vector_load %arg10[%parallel_loop3A_550, %parallel_loop3A_551] {strides = array<i32>} : memref<8x1024xf32, #tpu.memory_space<vmem>>, vector<1x16xf32>,
          %parallel_loop3A_553 = vector.shape_cast %parallel_loop3A_552 : vector<1x16xf32> to vector<16xf32>
          %parallel_loop3A_554 = arith.index_cast %scan3A_542 : i32 to index
          %parallel_loop3A_555 = arith.index_cast %parallel_loop3A_547 : i32 to index
          %parallel_loop3A_556 = tpu.vector_load %arg14[%parallel_loop3A_554, %parallel_loop3A_555] {strides = array<i32>} : memref<8x1024xf32, #tpu.memory_space<vmem>>, vector<1x16xf32>,
          %parallel_loop3A_557 = vector.shape_cast %parallel_loop3A_556 : vector<1x16xf32> to vector<16xf32>
          %parallel_loop3A_558 = vector.shape_cast %parallel_loop3A_553 : vector<16xf32> to vector<1x16xf32>
          tpu.vector_store %arg14[%parallel_loop3A_554, %parallel_loop3A_555], %parallel_loop3A_558 {add = true, strides = array<i32>} : memref<8x1024xf32, #tpu.memory_space<vmem>>, vector<1x16xf32>,
        } {sc.loop_unroll_factor = 8 : i64, sc.parallel_access}
      }
      %scan3A_534 = arith.constant 8 : i32
      %mul3A_535 = arith.constant 8 : i32
      %mul3A_536 = arith.muli %add3A_491, %mul3A_535 : i32
      %add3A_537 = arith.addi %mul3A_2, %mul3A_536 : i32
      %dma_start3A_538 = arith.constant 0 : i32
      %dma_start3A_539 = tpu.memref_slice %arg5[%add3A_537, %dma_start3A_538] : memref<32768x1024xf32, #tpu.memory_space<hbm>> -> memref<8x1024xf32, #tpu.memory_space<hbm>>
      %dma_start3A_540 = arith.constant 0 : i32
      %dma_start3A_541 = tpu.memref_slice %arg5[%add3A_537, %dma_start3A_540] : memref<32768x1024xf32, #tpu.memory_space<hbm>> -> memref<8x1024xf32, #tpu.memory_space<hbm>>
      tpu.enqueue_dma source(%arg14 : memref<8x1024xf32, #tpu.memory_space<vmem>>) target(%dma_start3A_541 : memref<8x1024xf32, #tpu.memory_space<hbm>>) target_semaphore(%arg22 : memref<!tpu.dma_semaphore, #tpu.memory_space<semaphore_mem>>)
    }
    %scan3A_175 = arith.constant 30 : i32
    %add3A_176 = arith.constant 976 : i32
    %add3A_177 = arith.addi %mul3A_2, %add3A_176 : i32
    %dma_wait3A_178 = arith.constant 0 : i32
    %dma_wait3A_179 = tpu.memref_slice %arg5[%add3A_177, %dma_wait3A_178] : memref<32768x1024xf32, #tpu.memory_space<hbm>> -> memref<8x1024xf32, #tpu.memory_space<hbm>>
    %dma_wait3A_180 = arith.constant 0 : i32
    %dma_wait3A_181 = tpu.memref_slice %arg5[%add3A_177, %dma_wait3A_180] : memref<32768x1024xf32, #tpu.memory_space<hbm>> -> memref<8x1024xf32, #tpu.memory_space<hbm>>
    tpu.wait_dma2 semaphore(%arg21 : memref<!tpu.dma_semaphore, #tpu.memory_space<semaphore_mem>>) src(%arg13 : memref<8x1024xf32, #tpu.memory_space<vmem>>) dst(%dma_wait3A_181 : memref<8x1024xf32, #tpu.memory_space<hbm>>)
    %add3A_182 = arith.constant 1008 : i32
    %add3A_183 = arith.addi %mul3A_2, %add3A_182 : i32
    %dma_start3A_184 = arith.constant 0 : i32
    %dma_start3A_185 = tpu.memref_slice %arg2[%add3A_183, %dma_start3A_184] : memref<32768x1024xf32, #tpu.memory_space<hbm>> -> memref<8x1024xf32, #tpu.memory_space<hbm>>
    %dma_start3A_186 = arith.constant 0 : i32
    %dma_start3A_187 = tpu.memref_slice %arg2[%add3A_183, %dma_start3A_186] : memref<32768x1024xf32, #tpu.memory_space<hbm>> -> memref<8x1024xf32, #tpu.memory_space<hbm>>
    tpu.enqueue_dma source(%dma_start3A_187 : memref<8x1024xf32, #tpu.memory_space<hbm>>) target(%arg13 : memref<8x1024xf32, #tpu.memory_space<vmem>>) target_semaphore(%arg17 : memref<!tpu.dma_semaphore, #tpu.memory_space<semaphore_mem>>)
    %dma_start3A_188 = arith.constant 1008 : i32
    %dma_start3A_189 = tpu.memref_slice %arg6[%dma_start3A_188] : memref<1024xi32, #tpu.memory_space<vmem>> -> memref<8xi32, #tpu.memory_space<vmem>>
    %dma_start3A_190 = arith.constant 0 : i32
    %dma_start3A_191 = arith.constant 0 : i32
    %dma_start3A_192 = tpu.memref_slice %arg4[%dma_start3A_190, %dma_start3A_191] : memref<8192x1024xf32, #tpu.memory_space<hbm>> -> memref<8192x1024xf32, #tpu.memory_space<hbm>>
    tpu.enqueue_indirect_dma source(%dma_start3A_192 : memref<8192x1024xf32, #tpu.memory_space<hbm>>) target(%arg9 : memref<8x1024xf32, #tpu.memory_space<vmem>>) offsets(%dma_start3A_189 : memref<8xi32, #tpu.memory_space<vmem>>) semaphore(%arg17 : memref<!tpu.dma_semaphore, #tpu.memory_space<semaphore_mem>>)
    %add3A_193 = arith.constant 992 : i32
    %add3A_194 = arith.addi %mul3A_2, %add3A_193 : i32
    %dma_wait3A_195 = arith.constant 0 : i32
    %dma_wait3A_196 = tpu.memref_slice %arg2[%add3A_194, %dma_wait3A_195] : memref<32768x1024xf32, #tpu.memory_space<hbm>> -> memref<8x1024xf32, #tpu.memory_space<hbm>>
    %dma_wait3A_197 = arith.constant 0 : i32
    %dma_wait3A_198 = tpu.memref_slice %arg2[%add3A_194, %dma_wait3A_197] : memref<32768x1024xf32, #tpu.memory_space<hbm>> -> memref<8x1024xf32, #tpu.memory_space<hbm>>
    tpu.wait_dma2 semaphore(%arg15 : memref<!tpu.dma_semaphore, #tpu.memory_space<semaphore_mem>>) src(%dma_wait3A_198 : memref<8x1024xf32, #tpu.memory_space<hbm>>) dst(%arg11 : memref<8x1024xf32, #tpu.memory_space<vmem>>)
    %dma_wait3A_199 = arith.constant 992 : i32
    %dma_wait3A_200 = tpu.memref_slice %arg6[%dma_wait3A_199] : memref<1024xi32, #tpu.memory_space<vmem>> -> memref<8xi32, #tpu.memory_space<vmem>>
    %dma_wait3A_201 = arith.constant 0 : i32
    %dma_wait3A_202 = arith.constant 0 : i32
    %dma_wait3A_203 = tpu.memref_slice %arg4[%dma_wait3A_201, %dma_wait3A_202] : memref<8192x1024xf32, #tpu.memory_space<hbm>> -> memref<8192x1024xf32, #tpu.memory_space<hbm>>
    tpu.wait_indirect_dma semaphore(%arg15 : memref<!tpu.dma_semaphore, #tpu.memory_space<semaphore_mem>>) src(%dma_wait3A_203 : memref<8192x1024xf32, #tpu.memory_space<hbm>>) dst(%arg7 : memref<8x1024xf32, #tpu.memory_space<vmem>>)
    %scan3A_204 = arith.constant 0 : i32
    %scan3A_205 = arith.constant 0 : i32
    %scan3A_206 = arith.constant 8 : i32
    %scan3A_207 = arith.addi %scan3A_205, %scan3A_206 : i32
    %scan3A_208 = arith.constant 1 : i32
    scf.for %scan3A_326 = %scan3A_205 to %scan3A_207 step %scan3A_208  : i32 {
      %parallel_loop3A = arith.constant 0 : i32
      %parallel_loop3A_327 = arith.constant 64 : i32
      %parallel_loop3A_328 = arith.constant 1 : i32
      scf.for %parallel_loop3A_329 = %parallel_loop3A to %parallel_loop3A_327 step %parallel_loop3A_328  : i32 {
        %parallel_loop3A_330 = arith.constant 16 : i32
        %parallel_loop3A_331 = arith.muli %parallel_loop3A_329, %parallel_loop3A_330 : i32
        %parallel_loop3A_332 = arith.constant 16 : i32
        %parallel_loop3A_333 = arith.muli %parallel_loop3A_329, %parallel_loop3A_332 : i32
        %parallel_loop3A_334 = arith.index_cast %scan3A_326 : i32 to index
        %parallel_loop3A_335 = arith.index_cast %parallel_loop3A_333 : i32 to index
        %parallel_loop3A_336 = tpu.vector_load %arg7[%parallel_loop3A_334, %parallel_loop3A_335] {strides = array<i32>} : memref<8x1024xf32, #tpu.memory_space<vmem>>, vector<1x16xf32>,
        %parallel_loop3A_337 = vector.shape_cast %parallel_loop3A_336 : vector<1x16xf32> to vector<16xf32>
        %parallel_loop3A_338 = arith.index_cast %scan3A_326 : i32 to index
        %parallel_loop3A_339 = arith.index_cast %parallel_loop3A_331 : i32 to index
        %parallel_loop3A_340 = tpu.vector_load %arg11[%parallel_loop3A_338, %parallel_loop3A_339] {strides = array<i32>} : memref<8x1024xf32, #tpu.memory_space<vmem>>, vector<1x16xf32>,
        %parallel_loop3A_341 = vector.shape_cast %parallel_loop3A_340 : vector<1x16xf32> to vector<16xf32>
        %parallel_loop3A_342 = vector.shape_cast %parallel_loop3A_337 : vector<16xf32> to vector<1x16xf32>
        tpu.vector_store %arg11[%parallel_loop3A_338, %parallel_loop3A_339], %parallel_loop3A_342 {add = true, strides = array<i32>} : memref<8x1024xf32, #tpu.memory_space<vmem>>, vector<1x16xf32>,
      } {sc.loop_unroll_factor = 8 : i64, sc.parallel_access}
    }
    %scan3A_209 = arith.constant 8 : i32
    %add3A_210 = arith.constant 992 : i32
    %add3A_211 = arith.addi %mul3A_2, %add3A_210 : i32
    %dma_start3A_212 = arith.constant 0 : i32
    %dma_start3A_213 = tpu.memref_slice %arg5[%add3A_211, %dma_start3A_212] : memref<32768x1024xf32, #tpu.memory_space<hbm>> -> memref<8x1024xf32, #tpu.memory_space<hbm>>
    %dma_start3A_214 = arith.constant 0 : i32
    %dma_start3A_215 = tpu.memref_slice %arg5[%add3A_211, %dma_start3A_214] : memref<32768x1024xf32, #tpu.memory_space<hbm>> -> memref<8x1024xf32, #tpu.memory_space<hbm>>
    tpu.enqueue_dma source(%arg11 : memref<8x1024xf32, #tpu.memory_space<vmem>>) target(%dma_start3A_215 : memref<8x1024xf32, #tpu.memory_space<hbm>>) target_semaphore(%arg19 : memref<!tpu.dma_semaphore, #tpu.memory_space<semaphore_mem>>)
    %add3A_216 = arith.constant 984 : i32
    %add3A_217 = arith.addi %mul3A_2, %add3A_216 : i32
    %dma_wait3A_218 = arith.constant 0 : i32
    %dma_wait3A_219 = tpu.memref_slice %arg5[%add3A_217, %dma_wait3A_218] : memref<32768x1024xf32, #tpu.memory_space<hbm>> -> memref<8x1024xf32, #tpu.memory_space<hbm>>
    %dma_wait3A_220 = arith.constant 0 : i32
    %dma_wait3A_221 = tpu.memref_slice %arg5[%add3A_217, %dma_wait3A_220] : memref<32768x1024xf32, #tpu.memory_space<hbm>> -> memref<8x1024xf32, #tpu.memory_space<hbm>>
    tpu.wait_dma2 semaphore(%arg22 : memref<!tpu.dma_semaphore, #tpu.memory_space<semaphore_mem>>) src(%arg14 : memref<8x1024xf32, #tpu.memory_space<vmem>>) dst(%dma_wait3A_221 : memref<8x1024xf32, #tpu.memory_space<hbm>>)
    %add3A_222 = arith.constant 1016 : i32
    %add3A_223 = arith.addi %mul3A_2, %add3A_222 : i32
    %dma_start3A_224 = arith.constant 0 : i32
    %dma_start3A_225 = tpu.memref_slice %arg2[%add3A_223, %dma_start3A_224] : memref<32768x1024xf32, #tpu.memory_space<hbm>> -> memref<8x1024xf32, #tpu.memory_space<hbm>>
    %dma_start3A_226 = arith.constant 0 : i32
    %dma_start3A_227 = tpu.memref_slice %arg2[%add3A_223, %dma_start3A_226] : memref<32768x1024xf32, #tpu.memory_space<hbm>> -> memref<8x1024xf32, #tpu.memory_space<hbm>>
    tpu.enqueue_dma source(%dma_start3A_227 : memref<8x1024xf32, #tpu.memory_space<hbm>>) target(%arg14 : memref<8x1024xf32, #tpu.memory_space<vmem>>) target_semaphore(%arg18 : memref<!tpu.dma_semaphore, #tpu.memory_space<semaphore_mem>>)
    %dma_start3A_228 = arith.constant 1016 : i32
    %dma_start3A_229 = tpu.memref_slice %arg6[%dma_start3A_228] : memref<1024xi32, #tpu.memory_space<vmem>> -> memref<8xi32, #tpu.memory_space<vmem>>
    %dma_start3A_230 = arith.constant 0 : i32
    %dma_start3A_231 = arith.constant 0 : i32
    %dma_start3A_232 = tpu.memref_slice %arg4[%dma_start3A_230, %dma_start3A_231] : memref<8192x1024xf32, #tpu.memory_space<hbm>> -> memref<8192x1024xf32, #tpu.memory_space<hbm>>
    tpu.enqueue_indirect_dma source(%dma_start3A_232 : memref<8192x1024xf32, #tpu.memory_space<hbm>>) target(%arg10 : memref<8x1024xf32, #tpu.memory_space<vmem>>) offsets(%dma_start3A_229 : memref<8xi32, #tpu.memory_space<vmem>>) semaphore(%arg18 : memref<!tpu.dma_semaphore, #tpu.memory_space<semaphore_mem>>)
    %add3A_233 = arith.constant 1000 : i32
    %add3A_234 = arith.addi %mul3A_2, %add3A_233 : i32
    %dma_wait3A_235 = arith.constant 0 : i32
    %dma_wait3A_236 = tpu.memref_slice %arg2[%add3A_234, %dma_wait3A_235] : memref<32768x1024xf32, #tpu.memory_space<hbm>> -> memref<8x1024xf32, #tpu.memory_space<hbm>>
    %dma_wait3A_237 = arith.constant 0 : i32
    %dma_wait3A_238 = tpu.memref_slice %arg2[%add3A_234, %dma_wait3A_237] : memref<32768x1024xf32, #tpu.memory_space<hbm>> -> memref<8x1024xf32, #tpu.memory_space<hbm>>
    tpu.wait_dma2 semaphore(%arg16 : memref<!tpu.dma_semaphore, #tpu.memory_space<semaphore_mem>>) src(%dma_wait3A_238 : memref<8x1024xf32, #tpu.memory_space<hbm>>) dst(%arg12 : memref<8x1024xf32, #tpu.memory_space<vmem>>)
    %dma_wait3A_239 = arith.constant 1000 : i32
    %dma_wait3A_240 = tpu.memref_slice %arg6[%dma_wait3A_239] : memref<1024xi32, #tpu.memory_space<vmem>> -> memref<8xi32, #tpu.memory_space<vmem>>
    %dma_wait3A_241 = arith.constant 0 : i32
    %dma_wait3A_242 = arith.constant 0 : i32
    %dma_wait3A_243 = tpu.memref_slice %arg4[%dma_wait3A_241, %dma_wait3A_242] : memref<8192x1024xf32, #tpu.memory_space<hbm>> -> memref<8192x1024xf32, #tpu.memory_space<hbm>>
    tpu.wait_indirect_dma semaphore(%arg16 : memref<!tpu.dma_semaphore, #tpu.memory_space<semaphore_mem>>) src(%dma_wait3A_243 : memref<8192x1024xf32, #tpu.memory_space<hbm>>) dst(%arg8 : memref<8x1024xf32, #tpu.memory_space<vmem>>)
    %scan3A_244 = arith.constant 0 : i32
    %scan3A_245 = arith.constant 0 : i32
    %scan3A_246 = arith.constant 8 : i32
    %scan3A_247 = arith.addi %scan3A_245, %scan3A_246 : i32
    %scan3A_248 = arith.constant 1 : i32
    scf.for %scan3A_326 = %scan3A_245 to %scan3A_247 step %scan3A_248  : i32 {
      %parallel_loop3A = arith.constant 0 : i32
      %parallel_loop3A_327 = arith.constant 64 : i32
      %parallel_loop3A_328 = arith.constant 1 : i32
      scf.for %parallel_loop3A_329 = %parallel_loop3A to %parallel_loop3A_327 step %parallel_loop3A_328  : i32 {
        %parallel_loop3A_330 = arith.constant 16 : i32
        %parallel_loop3A_331 = arith.muli %parallel_loop3A_329, %parallel_loop3A_330 : i32
        %parallel_loop3A_332 = arith.constant 16 : i32
        %parallel_loop3A_333 = arith.muli %parallel_loop3A_329, %parallel_loop3A_332 : i32
        %parallel_loop3A_334 = arith.index_cast %scan3A_326 : i32 to index
        %parallel_loop3A_335 = arith.index_cast %parallel_loop3A_333 : i32 to index
        %parallel_loop3A_336 = tpu.vector_load %arg8[%parallel_loop3A_334, %parallel_loop3A_335] {strides = array<i32>} : memref<8x1024xf32, #tpu.memory_space<vmem>>, vector<1x16xf32>,
        %parallel_loop3A_337 = vector.shape_cast %parallel_loop3A_336 : vector<1x16xf32> to vector<16xf32>
        %parallel_loop3A_338 = arith.index_cast %scan3A_326 : i32 to index
        %parallel_loop3A_339 = arith.index_cast %parallel_loop3A_331 : i32 to index
        %parallel_loop3A_340 = tpu.vector_load %arg12[%parallel_loop3A_338, %parallel_loop3A_339] {strides = array<i32>} : memref<8x1024xf32, #tpu.memory_space<vmem>>, vector<1x16xf32>,
        %parallel_loop3A_341 = vector.shape_cast %parallel_loop3A_340 : vector<1x16xf32> to vector<16xf32>
        %parallel_loop3A_342 = vector.shape_cast %parallel_loop3A_337 : vector<16xf32> to vector<1x16xf32>
        tpu.vector_store %arg12[%parallel_loop3A_338, %parallel_loop3A_339], %parallel_loop3A_342 {add = true, strides = array<i32>} : memref<8x1024xf32, #tpu.memory_space<vmem>>, vector<1x16xf32>,
      } {sc.loop_unroll_factor = 8 : i64, sc.parallel_access}
    }
    %scan3A_249 = arith.constant 8 : i32
    %add3A_250 = arith.constant 1000 : i32
    %add3A_251 = arith.addi %mul3A_2, %add3A_250 : i32
    %dma_start3A_252 = arith.constant 0 : i32
    %dma_start3A_253 = tpu.memref_slice %arg5[%add3A_251, %dma_start3A_252] : memref<32768x1024xf32, #tpu.memory_space<hbm>> -> memref<8x1024xf32, #tpu.memory_space<hbm>>
    %dma_start3A_254 = arith.constant 0 : i32
    %dma_start3A_255 = tpu.memref_slice %arg5[%add3A_251, %dma_start3A_254] : memref<32768x1024xf32, #tpu.memory_space<hbm>> -> memref<8x1024xf32, #tpu.memory_space<hbm>>
    tpu.enqueue_dma source(%arg12 : memref<8x1024xf32, #tpu.memory_space<vmem>>) target(%dma_start3A_255 : memref<8x1024xf32, #tpu.memory_space<hbm>>) target_semaphore(%arg20 : memref<!tpu.dma_semaphore, #tpu.memory_space<semaphore_mem>>)
    %add3A_256 = arith.constant 992 : i32
    %add3A_257 = arith.addi %mul3A_2, %add3A_256 : i32
    %dma_wait3A_258 = arith.constant 0 : i32
    %dma_wait3A_259 = tpu.memref_slice %arg5[%add3A_257, %dma_wait3A_258] : memref<32768x1024xf32, #tpu.memory_space<hbm>> -> memref<8x1024xf32, #tpu.memory_space<hbm>>
    %dma_wait3A_260 = arith.constant 0 : i32
    %dma_wait3A_261 = tpu.memref_slice %arg5[%add3A_257, %dma_wait3A_260] : memref<32768x1024xf32, #tpu.memory_space<hbm>> -> memref<8x1024xf32, #tpu.memory_space<hbm>>
    tpu.wait_dma2 semaphore(%arg19 : memref<!tpu.dma_semaphore, #tpu.memory_space<semaphore_mem>>) src(%arg11 : memref<8x1024xf32, #tpu.memory_space<vmem>>) dst(%dma_wait3A_261 : memref<8x1024xf32, #tpu.memory_space<hbm>>)
    %add3A_262 = arith.constant 1008 : i32
    %add3A_263 = arith.addi %mul3A_2, %add3A_262 : i32
    %dma_wait3A_264 = arith.constant 0 : i32
    %dma_wait3A_265 = tpu.memref_slice %arg2[%add3A_263, %dma_wait3A_264] : memref<32768x1024xf32, #tpu.memory_space<hbm>> -> memref<8x1024xf32, #tpu.memory_space<hbm>>
    %dma_wait3A_266 = arith.constant 0 : i32
    %dma_wait3A_267 = tpu.memref_slice %arg2[%add3A_263, %dma_wait3A_266] : memref<32768x1024xf32, #tpu.memory_space<hbm>> -> memref<8x1024xf32, #tpu.memory_space<hbm>>
    tpu.wait_dma2 semaphore(%arg17 : memref<!tpu.dma_semaphore, #tpu.memory_space<semaphore_mem>>) src(%dma_wait3A_267 : memref<8x1024xf32, #tpu.memory_space<hbm>>) dst(%arg13 : memref<8x1024xf32, #tpu.memory_space<vmem>>)
    %dma_wait3A_268 = arith.constant 1008 : i32
    %dma_wait3A_269 = tpu.memref_slice %arg6[%dma_wait3A_268] : memref<1024xi32, #tpu.memory_space<vmem>> -> memref<8xi32, #tpu.memory_space<vmem>>
    %dma_wait3A_270 = arith.constant 0 : i32
    %dma_wait3A_271 = arith.constant 0 : i32
    %dma_wait3A_272 = tpu.memref_slice %arg4[%dma_wait3A_270, %dma_wait3A_271] : memref<8192x1024xf32, #tpu.memory_space<hbm>> -> memref<8192x1024xf32, #tpu.memory_space<hbm>>
    tpu.wait_indirect_dma semaphore(%arg17 : memref<!tpu.dma_semaphore, #tpu.memory_space<semaphore_mem>>) src(%dma_wait3A_272 : memref<8192x1024xf32, #tpu.memory_space<hbm>>) dst(%arg9 : memref<8x1024xf32, #tpu.memory_space<vmem>>)
    %scan3A_273 = arith.constant 0 : i32
    %scan3A_274 = arith.constant 0 : i32
    %scan3A_275 = arith.constant 8 : i32
    %scan3A_276 = arith.addi %scan3A_274, %scan3A_275 : i32
    %scan3A_277 = arith.constant 1 : i32
    scf.for %scan3A_326 = %scan3A_274 to %scan3A_276 step %scan3A_277  : i32 {
      %parallel_loop3A = arith.constant 0 : i32
      %parallel_loop3A_327 = arith.constant 64 : i32
      %parallel_loop3A_328 = arith.constant 1 : i32
      scf.for %parallel_loop3A_329 = %parallel_loop3A to %parallel_loop3A_327 step %parallel_loop3A_328  : i32 {
        %parallel_loop3A_330 = arith.constant 16 : i32
        %parallel_loop3A_331 = arith.muli %parallel_loop3A_329, %parallel_loop3A_330 : i32
        %parallel_loop3A_332 = arith.constant 16 : i32
        %parallel_loop3A_333 = arith.muli %parallel_loop3A_329, %parallel_loop3A_332 : i32
        %parallel_loop3A_334 = arith.index_cast %scan3A_326 : i32 to index
        %parallel_loop3A_335 = arith.index_cast %parallel_loop3A_333 : i32 to index
        %parallel_loop3A_336 = tpu.vector_load %arg9[%parallel_loop3A_334, %parallel_loop3A_335] {strides = array<i32>} : memref<8x1024xf32, #tpu.memory_space<vmem>>, vector<1x16xf32>,
        %parallel_loop3A_337 = vector.shape_cast %parallel_loop3A_336 : vector<1x16xf32> to vector<16xf32>
        %parallel_loop3A_338 = arith.index_cast %scan3A_326 : i32 to index
        %parallel_loop3A_339 = arith.index_cast %parallel_loop3A_331 : i32 to index
        %parallel_loop3A_340 = tpu.vector_load %arg13[%parallel_loop3A_338, %parallel_loop3A_339] {strides = array<i32>} : memref<8x1024xf32, #tpu.memory_space<vmem>>, vector<1x16xf32>,
        %parallel_loop3A_341 = vector.shape_cast %parallel_loop3A_340 : vector<1x16xf32> to vector<16xf32>
        %parallel_loop3A_342 = vector.shape_cast %parallel_loop3A_337 : vector<16xf32> to vector<1x16xf32>
        tpu.vector_store %arg13[%parallel_loop3A_338, %parallel_loop3A_339], %parallel_loop3A_342 {add = true, strides = array<i32>} : memref<8x1024xf32, #tpu.memory_space<vmem>>, vector<1x16xf32>,
      } {sc.loop_unroll_factor = 8 : i64, sc.parallel_access}
    }
    %scan3A_278 = arith.constant 8 : i32
    %add3A_279 = arith.constant 1008 : i32
    %add3A_280 = arith.addi %mul3A_2, %add3A_279 : i32
    %dma_start3A_281 = arith.constant 0 : i32
    %dma_start3A_282 = tpu.memref_slice %arg5[%add3A_280, %dma_start3A_281] : memref<32768x1024xf32, #tpu.memory_space<hbm>> -> memref<8x1024xf32, #tpu.memory_space<hbm>>
    %dma_start3A_283 = arith.constant 0 : i32
    %dma_start3A_284 = tpu.memref_slice %arg5[%add3A_280, %dma_start3A_283] : memref<32768x1024xf32, #tpu.memory_space<hbm>> -> memref<8x1024xf32, #tpu.memory_space<hbm>>
    tpu.enqueue_dma source(%arg13 : memref<8x1024xf32, #tpu.memory_space<vmem>>) target(%dma_start3A_284 : memref<8x1024xf32, #tpu.memory_space<hbm>>) target_semaphore(%arg21 : memref<!tpu.dma_semaphore, #tpu.memory_space<semaphore_mem>>)
    %add3A_285 = arith.constant 1000 : i32
    %add3A_286 = arith.addi %mul3A_2, %add3A_285 : i32
    %dma_wait3A_287 = arith.constant 0 : i32
    %dma_wait3A_288 = tpu.memref_slice %arg5[%add3A_286, %dma_wait3A_287] : memref<32768x1024xf32, #tpu.memory_space<hbm>> -> memref<8x1024xf32, #tpu.memory_space<hbm>>
    %dma_wait3A_289 = arith.constant 0 : i32
    %dma_wait3A_290 = tpu.memref_slice %arg5[%add3A_286, %dma_wait3A_289] : memref<32768x1024xf32, #tpu.memory_space<hbm>> -> memref<8x1024xf32, #tpu.memory_space<hbm>>
    tpu.wait_dma2 semaphore(%arg20 : memref<!tpu.dma_semaphore, #tpu.memory_space<semaphore_mem>>) src(%arg12 : memref<8x1024xf32, #tpu.memory_space<vmem>>) dst(%dma_wait3A_290 : memref<8x1024xf32, #tpu.memory_space<hbm>>)
    %add3A_291 = arith.constant 1016 : i32
    %add3A_292 = arith.addi %mul3A_2, %add3A_291 : i32
    %dma_wait3A_293 = arith.constant 0 : i32
    %dma_wait3A_294 = tpu.memref_slice %arg2[%add3A_292, %dma_wait3A_293] : memref<32768x1024xf32, #tpu.memory_space<hbm>> -> memref<8x1024xf32, #tpu.memory_space<hbm>>
    %dma_wait3A_295 = arith.constant 0 : i32
    %dma_wait3A_296 = tpu.memref_slice %arg2[%add3A_292, %dma_wait3A_295] : memref<32768x1024xf32, #tpu.memory_space<hbm>> -> memref<8x1024xf32, #tpu.memory_space<hbm>>
    tpu.wait_dma2 semaphore(%arg18 : memref<!tpu.dma_semaphore, #tpu.memory_space<semaphore_mem>>) src(%dma_wait3A_296 : memref<8x1024xf32, #tpu.memory_space<hbm>>) dst(%arg14 : memref<8x1024xf32, #tpu.memory_space<vmem>>)
    %dma_wait3A_297 = arith.constant 1016 : i32
    %dma_wait3A_298 = tpu.memref_slice %arg6[%dma_wait3A_297] : memref<1024xi32, #tpu.memory_space<vmem>> -> memref<8xi32, #tpu.memory_space<vmem>>
    %dma_wait3A_299 = arith.constant 0 : i32
    %dma_wait3A_300 = arith.constant 0 : i32
    %dma_wait3A_301 = tpu.memref_slice %arg4[%dma_wait3A_299, %dma_wait3A_300] : memref<8192x1024xf32, #tpu.memory_space<hbm>> -> memref<8192x1024xf32, #tpu.memory_space<hbm>>
    tpu.wait_indirect_dma semaphore(%arg18 : memref<!tpu.dma_semaphore, #tpu.memory_space<semaphore_mem>>) src(%dma_wait3A_301 : memref<8192x1024xf32, #tpu.memory_space<hbm>>) dst(%arg10 : memref<8x1024xf32, #tpu.memory_space<vmem>>)
    %scan3A_302 = arith.constant 0 : i32
    %scan3A_303 = arith.constant 0 : i32
    %scan3A_304 = arith.constant 8 : i32
    %scan3A_305 = arith.addi %scan3A_303, %scan3A_304 : i32
    %scan3A_306 = arith.constant 1 : i32
    scf.for %scan3A_326 = %scan3A_303 to %scan3A_305 step %scan3A_306  : i32 {
      %parallel_loop3A = arith.constant 0 : i32
      %parallel_loop3A_327 = arith.constant 64 : i32
      %parallel_loop3A_328 = arith.constant 1 : i32
      scf.for %parallel_loop3A_329 = %parallel_loop3A to %parallel_loop3A_327 step %parallel_loop3A_328  : i32 {
        %parallel_loop3A_330 = arith.constant 16 : i32
        %parallel_loop3A_331 = arith.muli %parallel_loop3A_329, %parallel_loop3A_330 : i32
        %parallel_loop3A_332 = arith.constant 16 : i32
        %parallel_loop3A_333 = arith.muli %parallel_loop3A_329, %parallel_loop3A_332 : i32
        %parallel_loop3A_334 = arith.index_cast %scan3A_326 : i32 to index
        %parallel_loop3A_335 = arith.index_cast %parallel_loop3A_333 : i32 to index
        %parallel_loop3A_336 = tpu.vector_load %arg10[%parallel_loop3A_334, %parallel_loop3A_335] {strides = array<i32>} : memref<8x1024xf32, #tpu.memory_space<vmem>>, vector<1x16xf32>,
        %parallel_loop3A_337 = vector.shape_cast %parallel_loop3A_336 : vector<1x16xf32> to vector<16xf32>
        %parallel_loop3A_338 = arith.index_cast %scan3A_326 : i32 to index
        %parallel_loop3A_339 = arith.index_cast %parallel_loop3A_331 : i32 to index
        %parallel_loop3A_340 = tpu.vector_load %arg14[%parallel_loop3A_338, %parallel_loop3A_339] {strides = array<i32>} : memref<8x1024xf32, #tpu.memory_space<vmem>>, vector<1x16xf32>,
        %parallel_loop3A_341 = vector.shape_cast %parallel_loop3A_340 : vector<1x16xf32> to vector<16xf32>
        %parallel_loop3A_342 = vector.shape_cast %parallel_loop3A_337 : vector<16xf32> to vector<1x16xf32>
        tpu.vector_store %arg14[%parallel_loop3A_338, %parallel_loop3A_339], %parallel_loop3A_342 {add = true, strides = array<i32>} : memref<8x1024xf32, #tpu.memory_space<vmem>>, vector<1x16xf32>,
      } {sc.loop_unroll_factor = 8 : i64, sc.parallel_access}
    }
    %scan3A_307 = arith.constant 8 : i32
    %add3A_308 = arith.constant 1016 : i32
    %add3A_309 = arith.addi %mul3A_2, %add3A_308 : i32
    %dma_start3A_310 = arith.constant 0 : i32
    %dma_start3A_311 = tpu.memref_slice %arg5[%add3A_309, %dma_start3A_310] : memref<32768x1024xf32, #tpu.memory_space<hbm>> -> memref<8x1024xf32, #tpu.memory_space<hbm>>
    %dma_start3A_312 = arith.constant 0 : i32
    %dma_start3A_313 = tpu.memref_slice %arg5[%add3A_309, %dma_start3A_312] : memref<32768x1024xf32, #tpu.memory_space<hbm>> -> memref<8x1024xf32, #tpu.memory_space<hbm>>
    tpu.enqueue_dma source(%arg14 : memref<8x1024xf32, #tpu.memory_space<vmem>>) target(%dma_start3A_313 : memref<8x1024xf32, #tpu.memory_space<hbm>>) target_semaphore(%arg22 : memref<!tpu.dma_semaphore, #tpu.memory_space<semaphore_mem>>)
    %add3A_314 = arith.constant 1008 : i32
    %add3A_315 = arith.addi %mul3A_2, %add3A_314 : i32
    %dma_wait3A_316 = arith.constant 0 : i32
    %dma_wait3A_317 = tpu.memref_slice %arg5[%add3A_315, %dma_wait3A_316] : memref<32768x1024xf32, #tpu.memory_space<hbm>> -> memref<8x1024xf32, #tpu.memory_space<hbm>>
    %dma_wait3A_318 = arith.constant 0 : i32
    %dma_wait3A_319 = tpu.memref_slice %arg5[%add3A_315, %dma_wait3A_318] : memref<32768x1024xf32, #tpu.memory_space<hbm>> -> memref<8x1024xf32, #tpu.memory_space<hbm>>
    tpu.wait_dma2 semaphore(%arg21 : memref<!tpu.dma_semaphore, #tpu.memory_space<semaphore_mem>>) src(%arg13 : memref<8x1024xf32, #tpu.memory_space<vmem>>) dst(%dma_wait3A_319 : memref<8x1024xf32, #tpu.memory_space<hbm>>)
    %add3A_320 = arith.constant 1016 : i32
    %add3A_321 = arith.addi %mul3A_2, %add3A_320 : i32
    %dma_wait3A_322 = arith.constant 0 : i32
    %dma_wait3A_323 = tpu.memref_slice %arg5[%add3A_321, %dma_wait3A_322] : memref<32768x1024xf32, #tpu.memory_space<hbm>> -> memref<8x1024xf32, #tpu.memory_space<hbm>>
    %dma_wait3A_324 = arith.constant 0 : i32
    %dma_wait3A_325 = tpu.memref_slice %arg5[%add3A_321, %dma_wait3A_324] : memref<32768x1024xf32, #tpu.memory_space<hbm>> -> memref<8x1024xf32, #tpu.memory_space<hbm>>
    tpu.wait_dma2 semaphore(%arg22 : memref<!tpu.dma_semaphore, #tpu.memory_space<semaphore_mem>>) src(%arg14 : memref<8x1024xf32, #tpu.memory_space<vmem>>) dst(%dma_wait3A_325 : memref<8x1024xf32, #tpu.memory_space<hbm>>)
    return
  }
}

</mosaic_0001>

<sc_bundles>
// kernel: kernel.3.cloned.1.call-start
scs
__scs_entry_jumppad:
0x0: {  	(pc) =	sbr.rel $0x88, $3  }
0x1: {  	(tag) =	ssettag $0x0;
	lr =	simm.s32 $0x1  }
0x2: {  	[smem:$0x3F9E] =	sst lr;
	_ =	strace $0xD0000000  }
0x3: {  	_ = 	snop  }
0x4: {  	_ = 	snop  }
0x5: {  	_ = 	snop  }
0x6: {  	_ = 	snop  }
0x7: {  	_ = 	snop  }
__scs_overlays_trampoline_lowered:
0x8: {  	[smem:$0x3FAD] =	sst s0  }
0x9: {  	[smem:$0x3FAE] =	sst s1  }
0xa: {  	[smem:$0x3FAF] =	sst s2  }
0xb: {  	[smem:$0x3FB0] =	sst s3  }
0xc: {  	[smem:$0x3FB1] =	sst s4  }
0xd: {  	[smem:$0x3FB2] =	sst s5  }
0xe: {  	[smem:$0x3FB3] =	sst s6  }
0xf: {  	[smem:$0x3FB4] =	sst s7  }
0x10: {  	[smem:$0x3FB5] =	sst s8  }
0x11: {  	[smem:$0x3FB6] =	sst s9;
	s0 =	simm.s32 @!p0 $0x0  }
0x12: {  	s1 =	sld [smem:$0x3F9C];
	s0 =	simm.s32 @p0 $0x1  }
0x13: {  	[smem:$0x3FB7] =	sst s0;
	s0 =	simm.s32 @!p1 $0x0  }
0x14: {  	s2 =	sld [smem:$0x3F9B];
	s0 =	simm.s32 @p1 $0x1  }
0x15: {  	[smem:$0x3FB8] =	sst s0;
	s0 =	simm.s32 @!p2 $0x0  }
0x16: {  	s3 =	sld [smem:$0x3FDB];
	s0 =	simm.s32 @p2 $0x1  }
0x17: {  	s4 =	simm.s32 $0x1BF5;
	[smem:$0x3FBA] =	sst s0  }
0x18: {  	s0 =	sld [smem:$0x3F9D];
	_ =	swait.ge [sflag:s4], $0x0  }
0x19: {  	s7 =	sld [smem:$0x3F9E]  }
0x1a: {  	s8 =	sadd.s32 $0xFFFFE003, lr  }
0x1b: {  	s9 =	sadd.s32 $0xFFFFFEF7, lr;
	s5 =	simm.s32 $0xFFFFFFFF;
	p2 =	slt.u32 s8, $0xFFFFF086  }
0x1c: {  	p1 =	slt.u32 s9, $0xF7A;
	s5 =	simm.s32 @!p2 $0x0  }
0x1d: {  	s5 =	simm.s32 @p1 $0x1;
	p0 =	seq.s32 s7, s2  }
0x1e: {  	s7 =	smul.u32 @!p0 $0xF7A, s2;
	p2 =	seq.s32 @!p0 s5, $0x0  }
0x1f: {  	s9 =	smul.u32 $0xF7A, s1;
	s8 =	simm.s32 @!p0 $0x1BF5;
	p2 =	por !p2, p0  }
0x20: {  	[sflag:s8] =	ssyncset.s32 @!p0 $0xFFFFF086;
	s6 =	sadd.s32 @!p0 s3, s7;
	s7 =	simm.s32 @!p0 $0x108  }
0x21: {  	s3 =	sadd.s32 s3, s9;
	s6 =	sadd.s32 @!p0 $0x88, s6;
	s7 =	simm.s32 @p2 $0x1082  }
0x22: {  	[simem:s7], [sflag:s8] =	dma.local @!p0 [hbm:s6], $0xF7A  }
0x23: {  	s9 =	sor.u32 $0xD0000000, s2;
	s6 =	simm.s32 $0x108;
	_ =	swait.ge @!p0 [sflag:s8], $0x0  }
0x24: {  	s3 =	sadd.s32 $0x88, s3;
	s6 =	simm.s32 @!p1 $0x1082;
	[sflag:s4] =	ssyncset.s32 $0xFFFFF086  }
0x25: {  	[simem:s6], [sflag:s4] =	dma.local [hbm:s3], $0xF7A  }
0x26: {  	[smem:$0x3F9E] =	sst s1;
	(tag) =	ssettag s2;
	_ =	strace s9  }
0x27: {  	s1 =	sld [smem:$0x3FAE]  }
0x28: {  	s2 =	sld [smem:$0x3FAF]  }
0x29: {  	s4 =	sld [smem:$0x3FB1]  }
0x2a: {  	p0 =	seq.s32 s5, $0x0;
	s5 =	sld [smem:$0x3FB2]  }
0x2b: {  	s6 =	sld [smem:$0x3FB3]  }
0x2c: {  	s7 =	sld [smem:$0x3FB4]  }
0x2d: {  	s3 =	simm.s32 $0x108;
	s8 =	sld [smem:$0x3FB5]  }
0x2e: {  	s3 =	simm.s32 @!p0 $0x1082;
	s9 =	sld [smem:$0x3FB6]  }
0x2f: {  	lr =	sadd.s32 s0, s3;
	s0 =	sld [smem:$0x3FAD]  }
0x30: {  	s3 =	sld [smem:$0x3FB0]  }
0x31: {  	[smem:$0x3FB9] =	sst s10  }
0x32: {  	s10 =	sld [smem:$0x3FB7];
	_ =	sdelay $0x3  }
0x33: {  	p0 =	seq.s32 s10, $0x1;
	s10 =	sld [smem:$0x3FB9];
	_ =	sdelay $0x3  }
0x34: {  	[smem:$0x3FB9] =	sst s10  }
0x35: {  	s10 =	sld [smem:$0x3FB8];
	_ =	sdelay $0x3  }
0x36: {  	p1 =	seq.s32 s10, $0x1;
	s10 =	sld [smem:$0x3FB9];
	_ =	sdelay $0x3  }
0x37: {  	[smem:$0x3FB9] =	sst s10  }
0x38: {  	s10 =	sld [smem:$0x3FBA]  }
0x39: {  	_ = 	snop;
	(pc) =	sbr.ind lr, $3  }
0x3a: {  	_ = 	snop  }
0x3b: {  	_ = 	snop  }
0x3c: {  	p2 =	seq.s32 s10, $0x1;
	s10 =	sld [smem:$0x3FB9]  }
0x3d: {  	_ =	shalt  }
0x3e: {  	_ =	shalt  }
0x3f: {  	_ =	shalt  }
0x40: {  	_ =	shalt  }
0x41: {  	_ =	shalt  }
0x42: {  	_ =	shalt  }
0x43: {  	_ =	shalt  }
0x44: {  	_ =	shalt  }
0x45: {  	_ =	shalt  }
0x46: {  	_ =	shalt  }
0x47: {  	_ =	shalt  }
0x48: {  	_ =	shalt  }
0x49: {  	_ =	shalt  }
0x4a: {  	_ =	shalt  }
0x4b: {  	_ =	shalt  }
0x4c: {  	_ =	shalt  }
0x4d: {  	_ =	shalt  }
0x4e: {  	_ =	shalt  }
0x4f: {  	_ =	shalt  }
0x50: {  	_ =	shalt  }
0x51: {  	_ =	shalt  }
0x52: {  	_ =	shalt  }
0x53: {  	_ =	shalt  }
0x54: {  	_ =	shalt  }
0x55: {  	_ =	shalt  }
0x56: {  	_ =	shalt  }
0x57: {  	_ =	shalt  }
0x58: {  	_ =	shalt  }
0x59: {  	_ =	shalt  }
0x5a: {  	_ =	shalt  }
0x5b: {  	_ =	shalt  }
0x5c: {  	_ =	shalt  }
0x5d: {  	_ =	shalt  }
0x5e: {  	_ =	shalt  }
0x5f: {  	_ =	shalt  }
0x60: {  	_ =	shalt  }
0x61: {  	_ =	shalt  }
0x62: {  	_ =	shalt  }
0x63: {  	_ =	shalt  }
0x64: {  	_ =	shalt  }
0x65: {  	_ =	shalt  }
0x66: {  	_ =	shalt  }
0x67: {  	_ =	shalt  }
0x68: {  	_ =	shalt  }
0x69: {  	_ =	shalt  }
0x6a: {  	_ =	shalt  }
0x6b: {  	_ =	shalt  }
0x6c: {  	_ =	shalt  }
0x6d: {  	_ =	shalt  }
0x6e: {  	_ =	shalt  }
0x6f: {  	_ =	shalt  }
0x70: {  	_ =	shalt  }
0x71: {  	_ =	shalt  }
0x72: {  	_ =	shalt  }
0x73: {  	_ =	shalt  }
0x74: {  	_ =	shalt  }
0x75: {  	_ =	shalt  }
0x76: {  	_ =	shalt  }
0x77: {  	_ =	shalt  }
0x78: {  	_ =	shalt  }
0x79: {  	_ =	shalt  }
0x7a: {  	_ =	shalt  }
0x7b: {  	_ =	shalt  }
0x7c: {  	_ =	shalt  }
0x7d: {  	_ =	shalt  }
0x7e: {  	_ =	shalt  }
0x7f: {  	_ =	shalt  }
0x80: {  	_ =	shalt  }
0x81: {  	_ =	shalt  }
0x82: {  	_ =	shalt  }
0x83: {  	_ =	shalt  }
0x84: {  	_ =	shalt  }
0x85: {  	_ =	shalt  }
0x86: {  	_ =	shalt  }
0x87: {  	_ =	shalt  }
.Lfunc_end0:
.L_simem_size_0:
called_computation_lowered:
.L_overlay_start_0:
0x88: {  	s2 =	sld [smem:$0x3FD9]  }
0x89: {  	s3 =	sld [smem:$0x3FFE];
	_ =	sdelay $0x1  }
0x8a: {  	s1 =	srdreg.scid  }
0x8b: {  	s0 =	sand.u32 $0x1, s1  }
0x8c: {  	s17 =	sshll.u32 s0, $0xA;
	s2 =	sadd.s32 s3, s2  }
0x8d: {  	s2 =	sadd.s32 s2, s17  }
0x8e: {  	[smem:$0x3FC5] =	sst s2  }
0x8f: {  	_ = 	snop  }
0x90: {  	s2 =	sld [smem:$0x3FC9]  }
0x91: {  	s18 =	sld [smem:$0x3FC7]  }
0x92: {  	s4 =	sld [smem:$0x3FD0];
	(tm) =	ssettm $0x1  }
0x93: {  	s5 =	sld [smem:$0x3FFB];
	_ =	sdelay $0x3  }
0x94: {  	_ =	strace s5  }
0x95: {  	s5 =	sld [smem:$0x3FFC];
	_ =	sdelay $0x3  }
0x96: {  	_ =	strace s5  }
0x97: {  	s5 =	sld [smem:$0x3FFD];
	_ =	sdelay $0x3  }
0x98: {  	_ =	strace s5  }
0x99: {  	_ =	strace $0x8FFFFFFF  }
0x9a: {  	s19 =	sld [smem:$0x3FDB];
	_ =	sdelay $0x1  }
0x9b: {  	s6 =	simm.s32 $_scs_section_size  }
0x9c: {  	s7 =	simm.s32 $_size__tile_overlayer_lowered;
	s8 =	simm.s32 $_tile_overlayer_lowered  }
0x9d: {  	s22 =	simm.s32 $0x1BFF;
	s21 =	sshll.u32 s8, $0x1;
	s5 =	sadd.s32 s6, s19  }
0x9e: {  	s9 =	simm.s32 $0x0;
	s20 =	sshll.u32 s7, $0x1;
	s7 =	sadd.s32 s21, s5  }
0x9f: {  	[timem:s9], [sflag:s22] =	dma.local [hbm:s7], s20  }
0xa0: {  	_ =	swait.ge [sflag:s22], s20  }
0xa1: {  	s6 =	ssub.s32 $0x0, s20;
	[sflag:s22] =	ssyncset.done $0x0  }
0xa2: {  	[sflag:s22] =	ssyncadd.s32 s6;
	_ =	sdelay $0x1  }
0xa3: {  	s23 =	simm.s32 $0x1B8B  }
0xa4: {  	_ =	swait.ge [sflag:s23], $0x1  }
0xa5: {  	[sflag:s23] =	ssyncset.done $0x0  }
0xa6: {  	s25 =	simm.s32 $0x1B8E;
	s24 =	sld [smem:$0x3FFE];
	[sflag:s23] =	ssyncadd.s32 $0xFFFFFFFF  }
0xa7: {  	s26 =	simm.s32 $execute0_lowered;
	[smem:$0x3FD2] =	sst s25  }
0xa8: {  	s7 =	sshll.u32 s26, $0x1;
	_ =	strace $0x80000046;
	[dreg:$0x1] =	wrdreg $0xFFFFFFFF  }
0xa9: {  	s28 =	simm.s32 $_size_execute0_lowered;
	s5 =	sadd.s32 s5, s7;
	[dreg:$0x0] =	wrdreg $0x0  }
0xaa: {  	s7 =	sshll.u32 s28, $0x1;
	[dreg:$0x2] =	wrdreg s5  }
0xab: {  	[dreg:$0x3] =	wrdreg s7  }
0xac: {  	[dreg:$0x4] =	wrdreg $0xC0  }
0xad: {  	_ =	task [dreg:s9], $0x5FFFF  }
0xae: {  	[dreg:$0x1] =	wrdreg $0xFFFFFFFF  }
0xaf: {  	[dreg:$0x0] =	wrdreg $0x60  }
0xb0: {  	[dreg:$0x2] =	wrdreg s2  }
0xb1: {  	[dreg:$0x3] =	wrdreg s24  }
0xb2: {  	[dreg:$0x4] =	wrdreg s18  }
0xb3: {  	[dreg:$0x5] =	wrdreg s4  }
0xb4: {  	[dreg:$0x6] =	wrdreg $0x9  }
0xb5: {  	_ =	task.clear_ibuf [dreg:s9], $0x7FFFF;
	_ =	strace $0x90000046  }
0xb6: {  	s29 =	simm.s32 $0x9;
	_ =	strace $0x80000048  }
0xb7: {  	_ =	swait.ge [sflag:s29], $0x1  }
0xb8: {  	[sflag:s29] =	ssyncadd.s32 $0xFFFFFFFF  }
0xb9: {  	_ =	strace $0x90000048  }
0xba: {  	_ =	sfence  }
0xbb: {  	s30 =	sld [smem:$0x0];
	_ =	sdelay $0x2  }
0xbc: {  	s31 =	sshll.u32 s1, $0xD;
	s1 =	sshrl.u32 s1, $0x2  }
0xbd: {  	s3 =	sand.u32 $0x4000, s31;
	s1 =	sadd.s32 s1, s30  }
0xbe: {  	s0 =	sor.u32 s3, s0;
	s1 =	sshll.u32 s1, $0x11  }
0xbf: {  	s0 =	sor.u32 s1, s0  }
0xc0: {  	s0 =	sadd.s32 $0x8F2B, s0  }
0xc1: {  	[sflag:s0] =	ssyncadd.remote.s32 $0x1  }
0xc2: {  	_ =	sfence.sel $0xFFFF  }
0xc3: {  	[dreg:$0x0] =	wrdreg $0xFFFFFFFF;
	(pc) =	sbr.abs _section_cstart, $3  }
0xc4: {  	[dreg:$0x1] =	wrdreg $0xFFFFFFFF  }
0xc5: {  	_ =	task.clear_ibuf [dreg:s9], $0x2FFFF;
	_ =	strace $0x9FFFFFFF  }
0xc6: {  	(tm) =	ssettm $0x7FFFFFFF  }
0xc7: {  	_ =	shalt  }
tec
execute0_lowered:
.L_overlay_start_1:
0x0: {  	(tag) =	ssettag $0x1  }
0x1: {  	s1 =	rddreg [dreg:$0x0]  }
0x2: {  	s0 =	rddreg [dreg:$0x1]  }
0x3: {  	s3 =	rddreg [dreg:$0x2]  }
0x4: {  	s4 =	rddreg [dreg:$0x3]  }
0x5: {  	s2 =	srdreg.scid;
	s6 =	stileid.u32;
	s5 =	simm.s32 $0x0  }
0x6: {  	s30 =	simm.s32 $0x8400;
	s29 =	simm.s32 $0x2;
	s31 =	simm.s32 $0x5  }
0x7: {  	s2 =	sand.u32 $0x1, s2;
	s6 =	sshll.u32 s6, $0xB;
	[smem:$0x7FF] =	sst s5  }
0x8: {  	s9 =	sadd.s32 $0x100, s3;
	s10 =	sadd.s32 $0x200, s3;
	s7 =	sshll.u32 s2, $0xA  }
0x9: {  	s11 =	sadd.s32 $0x300, s3;
	_ =	strace $0x80000047;
	s6 =	sor.u32 s7, s6  }
0xa: {  	s2 =	ssub.s32 $0x2, s2;
	s7 =	sshrl.u32 s6, $0x3;
	s8 =	sshll.u32 s6, $0x7  }
0xb: {  	s24 =	sshrl.u32 s2, $0x1;
	s0 =	sadd.s32 s7, s0;
	s13 =	sadd.s32 s1, s8  }
0xc: {  	s25 =	sor.u32 $0x400, s8;
	s0 =	sadd.s32 $0x400, s0;
	[dreg:$0x6] =	wrdreg s13  }
0xd: {  	s28 =	sor.u32 $0x800, s8;
	s26 =	sadd.s32 s1, s25;
	[dreg:$0x5] =	wrdreg s0  }
0xe: {  	s16 =	sor.u32 $0xC00, s8;
	s12 =	sadd.s32 s1, s28;
	[dreg:$0x7] =	wrdreg s26  }
0xf: {  	s2 =	ssub.s32 s2, s24;
	s15 =	sadd.s32 s1, s16;
	[dreg:$0x8] =	wrdreg s12  }
0x10: {  	s14 =	sadd.s32 s4, s8;
	s17 =	sadd.s32 $0x1000, s13;
	[dreg:$0x9] =	wrdreg s15  }
0x11: {  	s20 =	sor.u32 $0x1F800, s8;
	s18 =	sadd.s32 s4, s28;
	[dreg:$0xb] =	wrdreg s17  }
0x12: {  	s23 =	sor.u32 $0x1FC00, s8;
	s19 =	sadd.s32 $0x1400, s13;
	[dreg:$0xc] =	wrdreg s18  }
0x13: {  	s7 =	simm.s32 $0x4;
	s21 =	sadd.s32 s4, s16;
	[dreg:$0xd] =	wrdreg s19  }
0x14: {  	s22 =	sadd.s32 s1, s20;
	s8 =	sadd.s32 s1, s23;
	[dreg:$0xe] =	wrdreg s21  }
0x15: {  	s24 =	sadd.s32 s4, s23;
	s28 =	sadd.s32 $0x1F400, s14;
	[dreg:$0xf] =	wrdreg s22  }
0x16: {  	s23 =	simm.s32 $0x1;
	s13 =	simm.s32 $0x7;
	[dreg:$0x10] =	wrdreg s8  }
0x17: {  	s0 =	sadd.s32 s4, s25;
	[dreg:$0x12] =	wrdreg s24;
	s25 =	smax.u32 s2, $0x1  }
0x18: {  	s26 =	sadd.s32 $0x1F000, s14;
	[dreg:$0x15] =	wrdreg s28;
	s12 =	simm.s32 $0xA400  }
0x19: {  	s18 =	simm.s32 $0xC400;
	s24 =	simm.s32 $0xE400;
	[dreg:$0xa] =	wrdreg s0  }
0x1a: {  	v0 =	vlaneseq.u32;
	s8 =	simm.s32 $0x7C00;
	s2 =	simm.s32 $0x6;
	[dreg:$0x13] =	wrdreg s25  }
0x1b: {  	v1 =	vshrl.u32 v0, $0x3;
	s15 =	simm.s32 $0x8;
	s0 =	sadd.s32 s4, s20;
	[dreg:$0x14] =	wrdreg s26  }
0x1c: {  	vm0 =	vmmov $0xffff;
	v0 =	vand.u32 $0x7, v0;
	v1 =	vmul.u32 $0x8, v1;
	s17 =	simm.s32 $0x0;
	[dreg:$0x11] =	wrdreg s0;
	s0 =	simm.s32 $0x3  }
.LBB2_1:
0x1d: {  	[dreg:$0x16] =	wrdreg s17  }
0x1e: {  	s16 =	rddreg [dreg:$0x5];
	s17 =	simm.s32 $0x9  }
0x1f: {  	[tilespmem:s5], [sflag:$0x9] =	stream.linear.gather [hbm4b:s16+s5], $0x400, $0x38;
	[tilespmem:$0x10400] =	vst v63  }
0x20: {  	_ =	swait.ge [sflag:s17], $0x400  }
0x21: {  	[sflag:s17] =	ssyncset.done $0x0  }
0x22: {  	s19 =	rddreg [dreg:$0x6];
	[sflag:s17] =	ssyncadd.s32 $0xFFFFFC00  }
0x23: {  	[tilespmem:s30], [sflag:$0x1] =	stream.linear.gather [hbm4b:s19+s5], $0x2000, $0x38;
	[tilespmem:$0x10400] =	vst v63  }
0x24: {  	v2 =	vld.msk [tilespmem:$0x0], $0xff;
	_ =	sdelay $0x4  }
0x25: {  	v3 =	vshll.u32 v2, $0x3  }
0x26: {  	v2 =	vand.u32 $0x7, v2;
	v3 =	vand.u32 $0xFFFFFFC0, v3  }
0x27: {  	v2 =	vor.u32 v2, v3  }
0x28: {  	v2 =	vperm.xlane v2, v0;
	_ =	sdelay $0x1  }
0x29: {  	v2 =	vadd.s32 v1, v2;
	_ =	sdelay $0x3  }
0x2a: {  	s20 =	simm.s32 $0x400  }
0x2b: {  	[tilespmem:s20], [sflag:$0x1] =	stream.indirect_vreg.gather [hbm4b:s3+s5], $0x80, v2, vm0, $0xb8;
	[tilespmem:$0x10400] =	vst v63  }
0x2c: {  	s21 =	simm.s32 $0xC00  }
0x2d: {  	[tilespmem:s21], [sflag:$0x1] =	stream.indirect_vreg.gather [hbm4b:s9+s5], $0x80, v2, vm0, $0xb8;
	[tilespmem:$0x10400] =	vst v63  }
0x2e: {  	s22 =	simm.s32 $0x1400  }
0x2f: {  	[tilespmem:s22], [sflag:$0x1] =	stream.indirect_vreg.gather [hbm4b:s10+s5], $0x80, v2, vm0, $0xb8;
	[tilespmem:$0x10400] =	vst v63  }
0x30: {  	s25 =	simm.s32 $0x1C00  }
0x31: {  	[tilespmem:s25], [sflag:$0x1] =	stream.indirect_vreg.gather [hbm4b:s11+s5], $0x80, v2, vm0, $0xb8;
	[tilespmem:$0x10400] =	vst v63  }
0x32: {  	s26 =	rddreg [dreg:$0x7]  }
0x33: {  	[tilespmem:s12], [sflag:$0x2] =	stream.linear.gather [hbm4b:s26+s5], $0x2000, $0x38;
	[tilespmem:$0x10400] =	vst v63  }
0x34: {  	v2 =	vld.msk [tilespmem:$0x8], $0xff;
	_ =	sdelay $0x4  }
0x35: {  	v3 =	vshll.u32 v2, $0x3  }
0x36: {  	v2 =	vand.u32 $0x7, v2;
	v3 =	vand.u32 $0xFFFFFFC0, v3  }
0x37: {  	v2 =	vor.u32 v2, v3  }
0x38: {  	v2 =	vperm.xlane v2, v0;
	_ =	sdelay $0x1  }
0x39: {  	v2 =	vadd.s32 v1, v2;
	_ =	sdelay $0x3  }
0x3a: {  	s28 =	simm.s32 $0x2400  }
0x3b: {  	[tilespmem:s28], [sflag:$0x2] =	stream.indirect_vreg.gather [hbm4b:s3+s5], $0x80, v2, vm0, $0xb8;
	[tilespmem:$0x10400] =	vst v63  }
0x3c: {  	s17 =	simm.s32 $0x2C00  }
0x3d: {  	[tilespmem:s17], [sflag:$0x2] =	stream.indirect_vreg.gather [hbm4b:s9+s5], $0x80, v2, vm0, $0xb8;
	[tilespmem:$0x10400] =	vst v63  }
0x3e: {  	s19 =	simm.s32 $0x3400  }
0x3f: {  	[tilespmem:s19], [sflag:$0x2] =	stream.indirect_vreg.gather [hbm4b:s10+s5], $0x80, v2, vm0, $0xb8;
	[tilespmem:$0x10400] =	vst v63  }
0x40: {  	s20 =	simm.s32 $0x3C00  }
0x41: {  	[tilespmem:s20], [sflag:$0x2] =	stream.indirect_vreg.gather [hbm4b:s11+s5], $0x80, v2, vm0, $0xb8;
	[tilespmem:$0x10400] =	vst v63  }
0x42: {  	s21 =	rddreg [dreg:$0x8]  }
0x43: {  	[tilespmem:s18], [sflag:$0x3] =	stream.linear.gather [hbm4b:s21+s5], $0x2000, $0x38;
	[tilespmem:$0x10400] =	vst v63  }
0x44: {  	v2 =	vld.msk [tilespmem:$0x10], $0xff;
	_ =	sdelay $0x4  }
0x45: {  	v3 =	vshll.u32 v2, $0x3  }
0x46: {  	v2 =	vand.u32 $0x7, v2;
	v3 =	vand.u32 $0xFFFFFFC0, v3  }
0x47: {  	v2 =	vor.u32 v2, v3  }
0x48: {  	v2 =	vperm.xlane v2, v0;
	_ =	sdelay $0x1  }
0x49: {  	v2 =	vadd.s32 v1, v2;
	_ =	sdelay $0x3  }
0x4a: {  	s22 =	simm.s32 $0x4400  }
0x4b: {  	[tilespmem:s22], [sflag:$0x3] =	stream.indirect_vreg.gather [hbm4b:s3+s5], $0x80, v2, vm0, $0xb8;
	[tilespmem:$0x10400] =	vst v63  }
0x4c: {  	s25 =	simm.s32 $0x4C00  }
0x4d: {  	[tilespmem:s25], [sflag:$0x3] =	stream.indirect_vreg.gather [hbm4b:s9+s5], $0x80, v2, vm0, $0xb8;
	[tilespmem:$0x10400] =	vst v63  }
0x4e: {  	s26 =	simm.s32 $0x5400  }
0x4f: {  	[tilespmem:s26], [sflag:$0x3] =	stream.indirect_vreg.gather [hbm4b:s10+s5], $0x80, v2, vm0, $0xb8;
	[tilespmem:$0x10400] =	vst v63  }
0x50: {  	s28 =	simm.s32 $0x5C00  }
0x51: {  	[tilespmem:s28], [sflag:$0x3] =	stream.indirect_vreg.gather [hbm4b:s11+s5], $0x80, v2, vm0, $0xb8;
	[tilespmem:$0x10400] =	vst v63  }
0x52: {  	_ =	swait.ge [sflag:s23], $0x2000  }
0x53: {  	[sflag:s23] =	ssyncset.done $0x0  }
0x54: {  	[sflag:s23] =	ssyncadd.s32 $0xFFFFE000  }
0x55: {  	_ =	swait.ge [sflag:s23], $0x2000  }
0x56: {  	[sflag:s23] =	ssyncset.done $0x0  }
0x57: {  	s16 =	simm.s32 $0x0;
	s17 =	simm.s32 $0x0;
	[sflag:s23] =	ssyncadd.s32 $0xFFFFE000  }
.LBB2_2:
0x58: {  	s19 =	sshra.s32 s16, $0x2  }
0x59: {  	v2 =	vld [tilespmem:s19+$0x470]  }
0x5a: {  	v3 =	vld [tilespmem:s19+$0x400]  }
0x5b: {  	v4 =	vld [tilespmem:s19+$0x410]  }
0x5c: {  	v5 =	vld [tilespmem:s19+$0x420]  }
0x5d: {  	v6 =	vld [tilespmem:s19+$0x430]  }
0x5e: {  	v7 =	vld [tilespmem:s19+$0x440]  }
0x5f: {  	v8 =	vld [tilespmem:s19+$0x450]  }
0x60: {  	[tilespmem:s19+$0x8470] =	vst.add.f32.msk $0xffff, v2  }
0x61: {  	v2 =	vld [tilespmem:s19+$0x460]  }
0x62: {  	[tilespmem:s19+$0x8400] =	vst.add.f32.msk $0xffff, v3  }
0x63: {  	[tilespmem:s19+$0x8410] =	vst.add.f32.msk $0xffff, v4  }
0x64: {  	[tilespmem:s19+$0x8420] =	vst.add.f32.msk $0xffff, v5  }
0x65: {  	[tilespmem:s19+$0x8430] =	vst.add.f32.msk $0xffff, v6  }
0x66: {  	[tilespmem:s19+$0x8440] =	vst.add.f32.msk $0xffff, v7  }
0x67: {  	s20 =	simm.s32 $0x0;
	s21 =	sadd.s32 $0x1000, s16;
	[tilespmem:s19+$0x8450] =	vst.add.f32.msk $0xffff, v8  }
.LBB2_3:
0x68: {  	s20 =	sadd.s32 $0x8, s20;
	[tilespmem:s19+$0x8460] =	vst.add.f32.msk $0xffff, v2;
	s19 =	sshra.s32 s21, $0x2  }
0x69: {  	v2 =	vld [tilespmem:s19+$0x470];
	p0 =	slt.u32 s20, $0x38  }
0x6a: {  	v3 =	vld [tilespmem:s19+$0x400]  }
0x6b: {  	v4 =	vld [tilespmem:s19+$0x410]  }
0x6c: {  	v5 =	vld [tilespmem:s19+$0x420]  }
0x6d: {  	v6 =	vld [tilespmem:s19+$0x430]  }
0x6e: {  	[tilespmem:s19+$0x8470] =	vst.add.f32.msk $0xffff, v2  }
0x6f: {  	v7 =	vld [tilespmem:s19+$0x440]  }
0x70: {  	v8 =	vld [tilespmem:s19+$0x450]  }
0x71: {  	v2 =	vld [tilespmem:s19+$0x460]  }
0x72: {  	[tilespmem:s19+$0x8400] =	vst.add.f32.msk $0xffff, v3  }
.Ltmp0:
0x73: {  	[tilespmem:s19+$0x8410] =	vst.add.f32.msk $0xffff, v4;
	(pc) =	sbr.rel @p0 .LBB2_3-.Ltmp0, $4  }
0x74: {  	[tilespmem:s19+$0x8420] =	vst.add.f32.msk $0xffff, v5  }
0x75: {  	[tilespmem:s19+$0x8430] =	vst.add.f32.msk $0xffff, v6  }
0x76: {  	[tilespmem:s19+$0x8440] =	vst.add.f32.msk $0xffff, v7  }
0x77: {  	s21 =	sadd.s32 $0x1000, s21;
	[tilespmem:s19+$0x8450] =	vst.add.f32.msk $0xffff, v8  }
0x78: {  	s17 =	sadd.s32 $0x1, s17  }
0x79: {  	p0 =	sne.s32 s17, $0x8  }
.Ltmp1:
0x7a: {  	_ = 	snop;
	(pc) =	sbr.rel @p0 .LBB2_2-.Ltmp1, $2  }
0x7b: {  	_ =	sdelay $0x2  }
0x7c: {  	[tilespmem:s19+$0x8460] =	vst.add.f32.msk $0xffff, v2;
	s16 =	sadd.s32 $0x200, s16  }
0x7d: {  	s16 =	simm.s32 $0x0  }
0x7e: {  	[hbm4b:s14+s16] =	stream.linear.scatter [tilespmem:s30], [sflag:$0x5], $0x2000, $0x38;
	[tilespmem:$0x10400] =	vst v63  }
0x7f: {  	s17 =	rddreg [dreg:$0x9]  }
0x80: {  	[tilespmem:s24], [sflag:$0x4] =	stream.linear.gather [hbm4b:s17+s16], $0x2000, $0x38;
	[tilespmem:$0x10400] =	vst v63  }
0x81: {  	v2 =	vld.msk [tilespmem:$0x18], $0xff;
	_ =	sdelay $0x4  }
0x82: {  	v3 =	vshll.u32 v2, $0x3  }
0x83: {  	v2 =	vand.u32 $0x7, v2;
	v3 =	vand.u32 $0xFFFFFFC0, v3  }
0x84: {  	v2 =	vor.u32 v2, v3  }
0x85: {  	v2 =	vperm.xlane v2, v0;
	_ =	sdelay $0x1  }
0x86: {  	v2 =	vadd.s32 v1, v2;
	_ =	sdelay $0x3  }
0x87: {  	s25 =	simm.s32 $0x6400  }
0x88: {  	[tilespmem:s25], [sflag:$0x4] =	stream.indirect_vreg.gather [hbm4b:s3+s16], $0x80, v2, vm0, $0xb8;
	[tilespmem:$0x10400] =	vst v63  }
0x89: {  	s26 =	simm.s32 $0x6C00  }
0x8a: {  	[tilespmem:s26], [sflag:$0x4] =	stream.indirect_vreg.gather [hbm4b:s9+s16], $0x80, v2, vm0, $0xb8;
	[tilespmem:$0x10400] =	vst v63  }
0x8b: {  	s28 =	simm.s32 $0x7400  }
0x8c: {  	[tilespmem:s28], [sflag:$0x4] =	stream.indirect_vreg.gather [hbm4b:s10+s16], $0x80, v2, vm0, $0xb8;
	[tilespmem:$0x10400] =	vst v63  }
0x8d: {  	_ = 	snop  }
0x8e: {  	[tilespmem:s8], [sflag:$0x4] =	stream.indirect_vreg.gather [hbm4b:s11+s16], $0x80, v2, vm0, $0xb8;
	[tilespmem:$0x10400] =	vst v63  }
0x8f: {  	_ =	swait.ge [sflag:s29], $0x2000  }
0x90: {  	[sflag:s29] =	ssyncset.done $0x0  }
0x91: {  	[sflag:s29] =	ssyncadd.s32 $0xFFFFE000  }
0x92: {  	_ =	swait.ge [sflag:s29], $0x2000  }
0x93: {  	[sflag:s29] =	ssyncset.done $0x0  }
0x94: {  	s17 =	simm.s32 $0x0;
	[sflag:s29] =	ssyncadd.s32 $0xFFFFE000  }
.LBB2_6:
0x95: {  	s19 =	sshra.s32 s16, $0x2  }
0x96: {  	v2 =	vld [tilespmem:s19+$0x2470]  }
0x97: {  	v3 =	vld [tilespmem:s19+$0x2400]  }
0x98: {  	v4 =	vld [tilespmem:s19+$0x2410]  }
0x99: {  	v5 =	vld [tilespmem:s19+$0x2420]  }
0x9a: {  	v6 =	vld [tilespmem:s19+$0x2430]  }
0x9b: {  	v7 =	vld [tilespmem:s19+$0x2440]  }
0x9c: {  	v8 =	vld [tilespmem:s19+$0x2450]  }
0x9d: {  	[tilespmem:s19+$0xA470] =	vst.add.f32.msk $0xffff, v2  }
0x9e: {  	v2 =	vld [tilespmem:s19+$0x2460]  }
0x9f: {  	[tilespmem:s19+$0xA400] =	vst.add.f32.msk $0xffff, v3  }
0xa0: {  	[tilespmem:s19+$0xA410] =	vst.add.f32.msk $0xffff, v4  }
0xa1: {  	[tilespmem:s19+$0xA420] =	vst.add.f32.msk $0xffff, v5  }
0xa2: {  	[tilespmem:s19+$0xA430] =	vst.add.f32.msk $0xffff, v6  }
0xa3: {  	[tilespmem:s19+$0xA440] =	vst.add.f32.msk $0xffff, v7  }
0xa4: {  	s20 =	simm.s32 $0x0;
	s21 =	sadd.s32 $0x1000, s16;
	[tilespmem:s19+$0xA450] =	vst.add.f32.msk $0xffff, v8  }
.LBB2_7:
0xa5: {  	s20 =	sadd.s32 $0x8, s20;
	[tilespmem:s19+$0xA460] =	vst.add.f32.msk $0xffff, v2;
	s19 =	sshra.s32 s21, $0x2  }
0xa6: {  	v2 =	vld [tilespmem:s19+$0x2470];
	p0 =	slt.u32 s20, $0x38  }
0xa7: {  	v3 =	vld [tilespmem:s19+$0x2400]  }
0xa8: {  	v4 =	vld [tilespmem:s19+$0x2410]  }
0xa9: {  	v5 =	vld [tilespmem:s19+$0x2420]  }
0xaa: {  	v6 =	vld [tilespmem:s19+$0x2430]  }
0xab: {  	[tilespmem:s19+$0xA470] =	vst.add.f32.msk $0xffff, v2  }
0xac: {  	v7 =	vld [tilespmem:s19+$0x2440]  }
0xad: {  	v8 =	vld [tilespmem:s19+$0x2450]  }
0xae: {  	v2 =	vld [tilespmem:s19+$0x2460]  }
0xaf: {  	[tilespmem:s19+$0xA400] =	vst.add.f32.msk $0xffff, v3  }
.Ltmp2:
0xb0: {  	[tilespmem:s19+$0xA410] =	vst.add.f32.msk $0xffff, v4;
	(pc) =	sbr.rel @p0 .LBB2_7-.Ltmp2, $4  }
0xb1: {  	[tilespmem:s19+$0xA420] =	vst.add.f32.msk $0xffff, v5  }
0xb2: {  	[tilespmem:s19+$0xA430] =	vst.add.f32.msk $0xffff, v6  }
0xb3: {  	[tilespmem:s19+$0xA440] =	vst.add.f32.msk $0xffff, v7  }
0xb4: {  	s21 =	sadd.s32 $0x1000, s21;
	[tilespmem:s19+$0xA450] =	vst.add.f32.msk $0xffff, v8  }
0xb5: {  	s17 =	sadd.s32 $0x1, s17  }
0xb6: {  	p0 =	sne.s32 s17, $0x8  }
.Ltmp3:
0xb7: {  	_ = 	snop;
	(pc) =	sbr.rel @p0 .LBB2_6-.Ltmp3, $2  }
0xb8: {  	_ =	sdelay $0x2  }
0xb9: {  	[tilespmem:s19+$0xA460] =	vst.add.f32.msk $0xffff, v2;
	s16 =	sadd.s32 $0x200, s16  }
0xba: {  	s16 =	simm.s32 $0x0;
	s17 =	rddreg [dreg:$0xa]  }
0xbb: {  	[hbm4b:s17+s16] =	stream.linear.scatter [tilespmem:s12], [sflag:$0x6], $0x2000, $0x38;
	[tilespmem:$0x10400] =	vst v63  }
0xbc: {  	_ =	swait.ge [sflag:s31], $0x2000  }
0xbd: {  	[sflag:s31] =	ssyncset.done $0x0  }
0xbe: {  	s21 =	rddreg [dreg:$0xb];
	[sflag:s31] =	ssyncadd.s32 $0xFFFFE000  }
0xbf: {  	[tilespmem:s30], [sflag:$0x1] =	stream.linear.gather [hbm4b:s21+s16], $0x2000, $0x38;
	[tilespmem:$0x10400] =	vst v63  }
0xc0: {  	v2 =	vld.msk [tilespmem:$0x20], $0xff;
	_ =	sdelay $0x4  }
0xc1: {  	v3 =	vshll.u32 v2, $0x3  }
0xc2: {  	v2 =	vand.u32 $0x7, v2;
	v3 =	vand.u32 $0xFFFFFFC0, v3  }
0xc3: {  	v2 =	vor.u32 v2, v3  }
0xc4: {  	v2 =	vperm.xlane v2, v0;
	_ =	sdelay $0x1  }
0xc5: {  	v2 =	vadd.s32 v1, v2;
	_ =	sdelay $0x3  }
0xc6: {  	s22 =	simm.s32 $0x400  }
0xc7: {  	[tilespmem:s22], [sflag:$0x1] =	stream.indirect_vreg.gather [hbm4b:s3+s16], $0x80, v2, vm0, $0xb8;
	[tilespmem:$0x10400] =	vst v63  }
0xc8: {  	s25 =	simm.s32 $0xC00  }
0xc9: {  	[tilespmem:s25], [sflag:$0x1] =	stream.indirect_vreg.gather [hbm4b:s9+s16], $0x80, v2, vm0, $0xb8;
	[tilespmem:$0x10400] =	vst v63  }
0xca: {  	s26 =	simm.s32 $0x1400  }
0xcb: {  	[tilespmem:s26], [sflag:$0x1] =	stream.indirect_vreg.gather [hbm4b:s10+s16], $0x80, v2, vm0, $0xb8;
	[tilespmem:$0x10400] =	vst v63  }
0xcc: {  	s28 =	simm.s32 $0x1C00  }
0xcd: {  	[tilespmem:s28], [sflag:$0x1] =	stream.indirect_vreg.gather [hbm4b:s11+s16], $0x80, v2, vm0, $0xb8;
	[tilespmem:$0x10400] =	vst v63  }
0xce: {  	_ =	swait.ge [sflag:s0], $0x2000  }
0xcf: {  	[sflag:s0] =	ssyncset.done $0x0  }
0xd0: {  	[sflag:s0] =	ssyncadd.s32 $0xFFFFE000  }
0xd1: {  	_ =	swait.ge [sflag:s0], $0x2000  }
0xd2: {  	[sflag:s0] =	ssyncset.done $0x0  }
0xd3: {  	s17 =	simm.s32 $0x0;
	[sflag:s0] =	ssyncadd.s32 $0xFFFFE000  }
.LBB2_10:
0xd4: {  	s19 =	sshra.s32 s16, $0x2  }
0xd5: {  	v2 =	vld [tilespmem:s19+$0x4470]  }
0xd6: {  	v3 =	vld [tilespmem:s19+$0x4400]  }
0xd7: {  	v4 =	vld [tilespmem:s19+$0x4410]  }
0xd8: {  	v5 =	vld [tilespmem:s19+$0x4420]  }
0xd9: {  	v6 =	vld [tilespmem:s19+$0x4430]  }
0xda: {  	v7 =	vld [tilespmem:s19+$0x4440]  }
0xdb: {  	v8 =	vld [tilespmem:s19+$0x4450]  }
0xdc: {  	[tilespmem:s19+$0xC470] =	vst.add.f32.msk $0xffff, v2  }
0xdd: {  	v2 =	vld [tilespmem:s19+$0x4460]  }
0xde: {  	[tilespmem:s19+$0xC400] =	vst.add.f32.msk $0xffff, v3  }
0xdf: {  	[tilespmem:s19+$0xC410] =	vst.add.f32.msk $0xffff, v4  }
0xe0: {  	[tilespmem:s19+$0xC420] =	vst.add.f32.msk $0xffff, v5  }
0xe1: {  	[tilespmem:s19+$0xC430] =	vst.add.f32.msk $0xffff, v6  }
0xe2: {  	[tilespmem:s19+$0xC440] =	vst.add.f32.msk $0xffff, v7  }
0xe3: {  	s20 =	simm.s32 $0x0;
	s21 =	sadd.s32 $0x1000, s16;
	[tilespmem:s19+$0xC450] =	vst.add.f32.msk $0xffff, v8  }
.LBB2_11:
0xe4: {  	s20 =	sadd.s32 $0x8, s20;
	[tilespmem:s19+$0xC460] =	vst.add.f32.msk $0xffff, v2;
	s19 =	sshra.s32 s21, $0x2  }
0xe5: {  	v2 =	vld [tilespmem:s19+$0x4470];
	p0 =	slt.u32 s20, $0x38  }
0xe6: {  	v3 =	vld [tilespmem:s19+$0x4400]  }
0xe7: {  	v4 =	vld [tilespmem:s19+$0x4410]  }
0xe8: {  	v5 =	vld [tilespmem:s19+$0x4420]  }
0xe9: {  	v6 =	vld [tilespmem:s19+$0x4430]  }
0xea: {  	[tilespmem:s19+$0xC470] =	vst.add.f32.msk $0xffff, v2  }
0xeb: {  	v7 =	vld [tilespmem:s19+$0x4440]  }
0xec: {  	v8 =	vld [tilespmem:s19+$0x4450]  }
0xed: {  	v2 =	vld [tilespmem:s19+$0x4460]  }
0xee: {  	[tilespmem:s19+$0xC400] =	vst.add.f32.msk $0xffff, v3  }
.Ltmp4:
0xef: {  	[tilespmem:s19+$0xC410] =	vst.add.f32.msk $0xffff, v4;
	(pc) =	sbr.rel @p0 .LBB2_11-.Ltmp4, $4  }
0xf0: {  	[tilespmem:s19+$0xC420] =	vst.add.f32.msk $0xffff, v5  }
0xf1: {  	[tilespmem:s19+$0xC430] =	vst.add.f32.msk $0xffff, v6  }
0xf2: {  	[tilespmem:s19+$0xC440] =	vst.add.f32.msk $0xffff, v7  }
0xf3: {  	s21 =	sadd.s32 $0x1000, s21;
	[tilespmem:s19+$0xC450] =	vst.add.f32.msk $0xffff, v8  }
0xf4: {  	s17 =	sadd.s32 $0x1, s17  }
0xf5: {  	p0 =	sne.s32 s17, $0x8  }
.Ltmp5:
0xf6: {  	_ = 	snop;
	(pc) =	sbr.rel @p0 .LBB2_10-.Ltmp5, $2  }
0xf7: {  	_ =	sdelay $0x2  }
0xf8: {  	[tilespmem:s19+$0xC460] =	vst.add.f32.msk $0xffff, v2;
	s16 =	sadd.s32 $0x200, s16  }
0xf9: {  	s16 =	simm.s32 $0x0;
	s17 =	rddreg [dreg:$0xc]  }
0xfa: {  	[hbm4b:s17+s16] =	stream.linear.scatter [tilespmem:s18], [sflag:$0x7], $0x2000, $0x38;
	[tilespmem:$0x10400] =	vst v63  }
0xfb: {  	_ =	swait.ge [sflag:s2], $0x2000  }
0xfc: {  	[sflag:s2] =	ssyncset.done $0x0  }
0xfd: {  	s21 =	rddreg [dreg:$0xd];
	[sflag:s2] =	ssyncadd.s32 $0xFFFFE000  }
0xfe: {  	[tilespmem:s12], [sflag:$0x2] =	stream.linear.gather [hbm4b:s21+s16], $0x2000, $0x38;
	[tilespmem:$0x10400] =	vst v63  }
0xff: {  	v2 =	vld.msk [tilespmem:$0x28], $0xff;
	_ =	sdelay $0x4  }
0x100: {  	v3 =	vshll.u32 v2, $0x3  }
0x101: {  	v2 =	vand.u32 $0x7, v2;
	v3 =	vand.u32 $0xFFFFFFC0, v3  }
0x102: {  	v2 =	vor.u32 v2, v3  }
0x103: {  	v2 =	vperm.xlane v2, v0;
	_ =	sdelay $0x1  }
0x104: {  	v2 =	vadd.s32 v1, v2;
	_ =	sdelay $0x3  }
0x105: {  	s22 =	simm.s32 $0x2400  }
0x106: {  	[tilespmem:s22], [sflag:$0x2] =	stream.indirect_vreg.gather [hbm4b:s3+s16], $0x80, v2, vm0, $0xb8;
	[tilespmem:$0x10400] =	vst v63  }
0x107: {  	s25 =	simm.s32 $0x2C00  }
0x108: {  	[tilespmem:s25], [sflag:$0x2] =	stream.indirect_vreg.gather [hbm4b:s9+s16], $0x80, v2, vm0, $0xb8;
	[tilespmem:$0x10400] =	vst v63  }
0x109: {  	s26 =	simm.s32 $0x3400  }
0x10a: {  	[tilespmem:s26], [sflag:$0x2] =	stream.indirect_vreg.gather [hbm4b:s10+s16], $0x80, v2, vm0, $0xb8;
	[tilespmem:$0x10400] =	vst v63  }
0x10b: {  	s28 =	simm.s32 $0x3C00  }
0x10c: {  	[tilespmem:s28], [sflag:$0x2] =	stream.indirect_vreg.gather [hbm4b:s11+s16], $0x80, v2, vm0, $0xb8;
	[tilespmem:$0x10400] =	vst v63  }
0x10d: {  	_ =	swait.ge [sflag:s7], $0x2000  }
0x10e: {  	[sflag:s7] =	ssyncset.done $0x0  }
0x10f: {  	[sflag:s7] =	ssyncadd.s32 $0xFFFFE000  }
0x110: {  	_ =	swait.ge [sflag:s7], $0x2000  }
0x111: {  	[sflag:s7] =	ssyncset.done $0x0  }
0x112: {  	s17 =	simm.s32 $0x0;
	[sflag:s7] =	ssyncadd.s32 $0xFFFFE000  }
.LBB2_14:
0x113: {  	s19 =	sshra.s32 s16, $0x2  }
0x114: {  	v2 =	vld [tilespmem:s19+$0x6470]  }
0x115: {  	v3 =	vld [tilespmem:s19+$0x6400]  }
0x116: {  	v4 =	vld [tilespmem:s19+$0x6410]  }
0x117: {  	v5 =	vld [tilespmem:s19+$0x6420]  }
0x118: {  	v6 =	vld [tilespmem:s19+$0x6430]  }
0x119: {  	v7 =	vld [tilespmem:s19+$0x6440]  }
0x11a: {  	v8 =	vld [tilespmem:s19+$0x6450]  }
0x11b: {  	[tilespmem:s19+$0xE470] =	vst.add.f32.msk $0xffff, v2  }
0x11c: {  	v2 =	vld [tilespmem:s19+$0x6460]  }
0x11d: {  	[tilespmem:s19+$0xE400] =	vst.add.f32.msk $0xffff, v3  }
0x11e: {  	[tilespmem:s19+$0xE410] =	vst.add.f32.msk $0xffff, v4  }
0x11f: {  	[tilespmem:s19+$0xE420] =	vst.add.f32.msk $0xffff, v5  }
0x120: {  	[tilespmem:s19+$0xE430] =	vst.add.f32.msk $0xffff, v6  }
0x121: {  	[tilespmem:s19+$0xE440] =	vst.add.f32.msk $0xffff, v7  }
0x122: {  	s20 =	simm.s32 $0x0;
	s21 =	sadd.s32 $0x1000, s16;
	[tilespmem:s19+$0xE450] =	vst.add.f32.msk $0xffff, v8  }
.LBB2_15:
0x123: {  	s20 =	sadd.s32 $0x8, s20;
	[tilespmem:s19+$0xE460] =	vst.add.f32.msk $0xffff, v2;
	s19 =	sshra.s32 s21, $0x2  }
0x124: {  	v2 =	vld [tilespmem:s19+$0x6470];
	p0 =	slt.u32 s20, $0x38  }
0x125: {  	v3 =	vld [tilespmem:s19+$0x6400]  }
0x126: {  	v4 =	vld [tilespmem:s19+$0x6410]  }
0x127: {  	v5 =	vld [tilespmem:s19+$0x6420]  }
0x128: {  	v6 =	vld [tilespmem:s19+$0x6430]  }
0x129: {  	[tilespmem:s19+$0xE470] =	vst.add.f32.msk $0xffff, v2  }
0x12a: {  	v7 =	vld [tilespmem:s19+$0x6440]  }
0x12b: {  	v8 =	vld [tilespmem:s19+$0x6450]  }
0x12c: {  	v2 =	vld [tilespmem:s19+$0x6460]  }
0x12d: {  	[tilespmem:s19+$0xE400] =	vst.add.f32.msk $0xffff, v3  }
.Ltmp6:
0x12e: {  	[tilespmem:s19+$0xE410] =	vst.add.f32.msk $0xffff, v4;
	(pc) =	sbr.rel @p0 .LBB2_15-.Ltmp6, $4  }
0x12f: {  	[tilespmem:s19+$0xE420] =	vst.add.f32.msk $0xffff, v5  }
0x130: {  	[tilespmem:s19+$0xE430] =	vst.add.f32.msk $0xffff, v6  }
0x131: {  	[tilespmem:s19+$0xE440] =	vst.add.f32.msk $0xffff, v7  }
0x132: {  	s21 =	sadd.s32 $0x1000, s21;
	[tilespmem:s19+$0xE450] =	vst.add.f32.msk $0xffff, v8  }
0x133: {  	s17 =	sadd.s32 $0x1, s17  }
0x134: {  	p0 =	sne.s32 s17, $0x8  }
.Ltmp7:
0x135: {  	_ = 	snop;
	(pc) =	sbr.rel @p0 .LBB2_14-.Ltmp7, $2  }
0x136: {  	_ =	sdelay $0x2  }
0x137: {  	[tilespmem:s19+$0xE460] =	vst.add.f32.msk $0xffff, v2;
	s16 =	sadd.s32 $0x200, s16  }
0x138: {  	s16 =	rddreg [dreg:$0xe]  }
0x139: {  	[hbm4b:s16+s5] =	stream.linear.scatter [tilespmem:s24], [sflag:$0x8], $0x2000, $0x38;
	[tilespmem:$0x10400] =	vst v63  }
0x13a: {  	s16 =	simm.s32 $0x1  }
.LBB2_18:
0x13b: {  	s17 =	sshll.u32 s16, $0x5  }
0x13c: {  	s21 =	sor.u32 $0x10, s17  }
0x13d: {  	_ =	swait.ge [sflag:s13], $0x2000;
	s19 =	sor.u32 s6, s21  }
0x13e: {  	[sflag:s13] =	ssyncset.done $0x0;
	s19 =	sshll.u32 s19, $0x7  }
0x13f: {  	s20 =	simm.s32 $0x0;
	[sflag:s13] =	ssyncadd.s32 $0xFFFFE000;
	s22 =	sadd.s32 s1, s19  }
0x140: {  	[tilespmem:s18], [sflag:$0x3] =	stream.linear.gather [hbm4b:s22+s20], $0x2000, $0x38;
	[tilespmem:$0x10400] =	vst v63  }
0x141: {  	v2 =	vld.msk [tilespmem:s21+$0x0], $0xff;
	_ =	sdelay $0x4  }
0x142: {  	v3 =	vshll.u32 v2, $0x3  }
0x143: {  	v2 =	vand.u32 $0x7, v2;
	v3 =	vand.u32 $0xFFFFFFC0, v3  }
0x144: {  	v2 =	vor.u32 v2, v3  }
0x145: {  	v2 =	vperm.xlane v2, v0;
	_ =	sdelay $0x1  }
0x146: {  	v2 =	vadd.s32 v1, v2;
	_ =	sdelay $0x3  }
0x147: {  	s22 =	simm.s32 $0x4400  }
0x148: {  	[tilespmem:s22], [sflag:$0x3] =	stream.indirect_vreg.gather [hbm4b:s3+s20], $0x80, v2, vm0, $0xb8;
	[tilespmem:$0x10400] =	vst v63  }
0x149: {  	s25 =	simm.s32 $0x4C00  }
0x14a: {  	[tilespmem:s25], [sflag:$0x3] =	stream.indirect_vreg.gather [hbm4b:s9+s20], $0x80, v2, vm0, $0xb8;
	[tilespmem:$0x10400] =	vst v63  }
0x14b: {  	s26 =	simm.s32 $0x5400  }
0x14c: {  	[tilespmem:s26], [sflag:$0x3] =	stream.indirect_vreg.gather [hbm4b:s10+s20], $0x80, v2, vm0, $0xb8;
	[tilespmem:$0x10400] =	vst v63  }
0x14d: {  	s28 =	simm.s32 $0x5C00  }
0x14e: {  	[tilespmem:s28], [sflag:$0x3] =	stream.indirect_vreg.gather [hbm4b:s11+s20], $0x80, v2, vm0, $0xb8;
	[tilespmem:$0x10400] =	vst v63  }
0x14f: {  	_ =	swait.ge [sflag:s23], $0x2000  }
0x150: {  	[sflag:s23] =	ssyncset.done $0x0  }
0x151: {  	[sflag:s23] =	ssyncadd.s32 $0xFFFFE000  }
0x152: {  	_ =	swait.ge [sflag:s23], $0x2000  }
0x153: {  	[sflag:s23] =	ssyncset.done $0x0  }
0x154: {  	s21 =	simm.s32 $0x0;
	[sflag:s23] =	ssyncadd.s32 $0xFFFFE000  }
.LBB2_19:
0x155: {  	s22 =	sshra.s32 s20, $0x2  }
0x156: {  	v2 =	vld [tilespmem:s22+$0x470]  }
0x157: {  	v3 =	vld [tilespmem:s22+$0x400]  }
0x158: {  	v4 =	vld [tilespmem:s22+$0x410]  }
0x159: {  	v5 =	vld [tilespmem:s22+$0x420]  }
0x15a: {  	v6 =	vld [tilespmem:s22+$0x430]  }
0x15b: {  	v7 =	vld [tilespmem:s22+$0x440]  }
0x15c: {  	v8 =	vld [tilespmem:s22+$0x450]  }
0x15d: {  	[tilespmem:s22+$0x8470] =	vst.add.f32.msk $0xffff, v2  }
0x15e: {  	v2 =	vld [tilespmem:s22+$0x460]  }
0x15f: {  	[tilespmem:s22+$0x8400] =	vst.add.f32.msk $0xffff, v3  }
0x160: {  	[tilespmem:s22+$0x8410] =	vst.add.f32.msk $0xffff, v4  }
0x161: {  	[tilespmem:s22+$0x8420] =	vst.add.f32.msk $0xffff, v5  }
0x162: {  	[tilespmem:s22+$0x8430] =	vst.add.f32.msk $0xffff, v6  }
0x163: {  	[tilespmem:s22+$0x8440] =	vst.add.f32.msk $0xffff, v7  }
0x164: {  	s25 =	simm.s32 $0x0;
	s26 =	sadd.s32 $0x1000, s20;
	[tilespmem:s22+$0x8450] =	vst.add.f32.msk $0xffff, v8  }
.LBB2_20:
0x165: {  	s25 =	sadd.s32 $0x8, s25;
	[tilespmem:s22+$0x8460] =	vst.add.f32.msk $0xffff, v2;
	s22 =	sshra.s32 s26, $0x2  }
0x166: {  	v2 =	vld [tilespmem:s22+$0x470];
	p0 =	slt.u32 s25, $0x38  }
0x167: {  	v3 =	vld [tilespmem:s22+$0x400]  }
0x168: {  	v4 =	vld [tilespmem:s22+$0x410]  }
0x169: {  	v5 =	vld [tilespmem:s22+$0x420]  }
0x16a: {  	v6 =	vld [tilespmem:s22+$0x430]  }
0x16b: {  	[tilespmem:s22+$0x8470] =	vst.add.f32.msk $0xffff, v2  }
0x16c: {  	v7 =	vld [tilespmem:s22+$0x440]  }
0x16d: {  	v8 =	vld [tilespmem:s22+$0x450]  }
0x16e: {  	v2 =	vld [tilespmem:s22+$0x460]  }
0x16f: {  	[tilespmem:s22+$0x8400] =	vst.add.f32.msk $0xffff, v3  }
.Ltmp8:
0x170: {  	[tilespmem:s22+$0x8410] =	vst.add.f32.msk $0xffff, v4;
	(pc) =	sbr.rel @p0 .LBB2_20-.Ltmp8, $4  }
0x171: {  	[tilespmem:s22+$0x8420] =	vst.add.f32.msk $0xffff, v5  }
0x172: {  	[tilespmem:s22+$0x8430] =	vst.add.f32.msk $0xffff, v6  }
0x173: {  	[tilespmem:s22+$0x8440] =	vst.add.f32.msk $0xffff, v7  }
0x174: {  	s26 =	sadd.s32 $0x1000, s26;
	[tilespmem:s22+$0x8450] =	vst.add.f32.msk $0xffff, v8  }
0x175: {  	s21 =	sadd.s32 $0x1, s21  }
0x176: {  	p0 =	sne.s32 s21, $0x8  }
.Ltmp9:
0x177: {  	_ = 	snop;
	(pc) =	sbr.rel @p0 .LBB2_19-.Ltmp9, $2  }
0x178: {  	_ =	sdelay $0x2  }
0x179: {  	[tilespmem:s22+$0x8460] =	vst.add.f32.msk $0xffff, v2;
	s20 =	sadd.s32 $0x200, s20  }
0x17a: {  	s20 =	sshll.u32 s16, $0xC  }
0x17b: {  	s21 =	simm.s32 $0x0;
	s22 =	sor.u32 $0x18, s17;
	s20 =	sadd.s32 s20, s14  }
0x17c: {  	[hbm4b:s20+s21] =	stream.linear.scatter [tilespmem:s30], [sflag:$0x5], $0x2000, $0x38;
	[tilespmem:$0x10400] =	vst v63  }
0x17d: {  	s28 =	sor.u32 s6, s22;
	_ =	swait.ge [sflag:s15], $0x2000  }
0x17e: {  	s20 =	sshll.u32 s28, $0x7;
	[sflag:s15] =	ssyncset.done $0x0  }
0x17f: {  	s25 =	sadd.s32 s1, s20;
	[sflag:s15] =	ssyncadd.s32 $0xFFFFE000  }
0x180: {  	[tilespmem:s24], [sflag:$0x4] =	stream.linear.gather [hbm4b:s25+s21], $0x2000, $0x38;
	[tilespmem:$0x10400] =	vst v63  }
0x181: {  	v2 =	vld.msk [tilespmem:s22+$0x0], $0xff;
	_ =	sdelay $0x4  }
0x182: {  	v3 =	vshll.u32 v2, $0x3  }
0x183: {  	v2 =	vand.u32 $0x7, v2;
	v3 =	vand.u32 $0xFFFFFFC0, v3  }
0x184: {  	v2 =	vor.u32 v2, v3  }
0x185: {  	v2 =	vperm.xlane v2, v0;
	_ =	sdelay $0x1  }
0x186: {  	v2 =	vadd.s32 v1, v2;
	_ =	sdelay $0x3  }
0x187: {  	s25 =	simm.s32 $0x6400  }
0x188: {  	[tilespmem:s25], [sflag:$0x4] =	stream.indirect_vreg.gather [hbm4b:s3+s21], $0x80, v2, vm0, $0xb8;
	[tilespmem:$0x10400] =	vst v63  }
0x189: {  	s26 =	simm.s32 $0x6C00  }
0x18a: {  	[tilespmem:s26], [sflag:$0x4] =	stream.indirect_vreg.gather [hbm4b:s9+s21], $0x80, v2, vm0, $0xb8;
	[tilespmem:$0x10400] =	vst v63  }
0x18b: {  	s28 =	simm.s32 $0x7400  }
0x18c: {  	[tilespmem:s28], [sflag:$0x4] =	stream.indirect_vreg.gather [hbm4b:s10+s21], $0x80, v2, vm0, $0xb8;
	[tilespmem:$0x10400] =	vst v63  }
0x18d: {  	_ = 	snop  }
0x18e: {  	[tilespmem:s8], [sflag:$0x4] =	stream.indirect_vreg.gather [hbm4b:s11+s21], $0x80, v2, vm0, $0xb8;
	[tilespmem:$0x10400] =	vst v63  }
0x18f: {  	_ =	swait.ge [sflag:s29], $0x2000  }
0x190: {  	[sflag:s29] =	ssyncset.done $0x0  }
0x191: {  	[sflag:s29] =	ssyncadd.s32 $0xFFFFE000  }
0x192: {  	_ =	swait.ge [sflag:s29], $0x2000  }
0x193: {  	[sflag:s29] =	ssyncset.done $0x0  }
0x194: {  	s22 =	simm.s32 $0x0;
	[sflag:s29] =	ssyncadd.s32 $0xFFFFE000  }
.LBB2_23:
0x195: {  	s25 =	sshra.s32 s21, $0x2  }
0x196: {  	v2 =	vld [tilespmem:s25+$0x2470]  }
0x197: {  	v3 =	vld [tilespmem:s25+$0x2400]  }
0x198: {  	v4 =	vld [tilespmem:s25+$0x2410]  }
0x199: {  	v5 =	vld [tilespmem:s25+$0x2420]  }
0x19a: {  	v6 =	vld [tilespmem:s25+$0x2430]  }
0x19b: {  	v7 =	vld [tilespmem:s25+$0x2440]  }
0x19c: {  	v8 =	vld [tilespmem:s25+$0x2450]  }
0x19d: {  	[tilespmem:s25+$0xA470] =	vst.add.f32.msk $0xffff, v2  }
0x19e: {  	v2 =	vld [tilespmem:s25+$0x2460]  }
0x19f: {  	[tilespmem:s25+$0xA400] =	vst.add.f32.msk $0xffff, v3  }
0x1a0: {  	[tilespmem:s25+$0xA410] =	vst.add.f32.msk $0xffff, v4  }
0x1a1: {  	[tilespmem:s25+$0xA420] =	vst.add.f32.msk $0xffff, v5  }
0x1a2: {  	[tilespmem:s25+$0xA430] =	vst.add.f32.msk $0xffff, v6  }
0x1a3: {  	[tilespmem:s25+$0xA440] =	vst.add.f32.msk $0xffff, v7  }
0x1a4: {  	s26 =	simm.s32 $0x0;
	s28 =	sadd.s32 $0x1000, s21;
	[tilespmem:s25+$0xA450] =	vst.add.f32.msk $0xffff, v8  }
.LBB2_24:
0x1a5: {  	s26 =	sadd.s32 $0x8, s26;
	[tilespmem:s25+$0xA460] =	vst.add.f32.msk $0xffff, v2;
	s25 =	sshra.s32 s28, $0x2  }
0x1a6: {  	v2 =	vld [tilespmem:s25+$0x2470];
	p0 =	slt.u32 s26, $0x38  }
0x1a7: {  	v3 =	vld [tilespmem:s25+$0x2400]  }
0x1a8: {  	v4 =	vld [tilespmem:s25+$0x2410]  }
0x1a9: {  	v5 =	vld [tilespmem:s25+$0x2420]  }
0x1aa: {  	v6 =	vld [tilespmem:s25+$0x2430]  }
0x1ab: {  	[tilespmem:s25+$0xA470] =	vst.add.f32.msk $0xffff, v2  }
0x1ac: {  	v7 =	vld [tilespmem:s25+$0x2440]  }
0x1ad: {  	v8 =	vld [tilespmem:s25+$0x2450]  }
0x1ae: {  	v2 =	vld [tilespmem:s25+$0x2460]  }
0x1af: {  	[tilespmem:s25+$0xA400] =	vst.add.f32.msk $0xffff, v3  }
.Ltmp10:
0x1b0: {  	[tilespmem:s25+$0xA410] =	vst.add.f32.msk $0xffff, v4;
	(pc) =	sbr.rel @p0 .LBB2_24-.Ltmp10, $4  }
0x1b1: {  	[tilespmem:s25+$0xA420] =	vst.add.f32.msk $0xffff, v5  }
0x1b2: {  	[tilespmem:s25+$0xA430] =	vst.add.f32.msk $0xffff, v6  }
0x1b3: {  	[tilespmem:s25+$0xA440] =	vst.add.f32.msk $0xffff, v7  }
0x1b4: {  	s28 =	sadd.s32 $0x1000, s28;
	[tilespmem:s25+$0xA450] =	vst.add.f32.msk $0xffff, v8  }
0x1b5: {  	s22 =	sadd.s32 $0x1, s22  }
0x1b6: {  	p0 =	sne.s32 s22, $0x8  }
.Ltmp11:
0x1b7: {  	_ = 	snop;
	(pc) =	sbr.rel @p0 .LBB2_23-.Ltmp11, $2  }
0x1b8: {  	_ =	sdelay $0x2  }
0x1b9: {  	[tilespmem:s25+$0xA460] =	vst.add.f32.msk $0xffff, v2;
	s21 =	sadd.s32 $0x200, s21  }
0x1ba: {  	s21 =	sadd.s32 s17, s6  }
0x1bb: {  	s21 =	sshll.u32 s21, $0x7  }
0x1bc: {  	s21 =	sadd.s32 s4, s21  }
0x1bd: {  	s26 =	sadd.s32 $0x20, s17;
	s22 =	sadd.s32 $0x400, s21;
	s21 =	simm.s32 $0x0  }
0x1be: {  	[hbm4b:s22+s21] =	stream.linear.scatter [tilespmem:s12], [sflag:$0x6], $0x2000, $0x38;
	[tilespmem:$0x10400] =	vst v63  }
0x1bf: {  	s22 =	sadd.s32 s6, s26;
	_ =	swait.ge [sflag:s31], $0x2000  }
0x1c0: {  	s22 =	sshll.u32 s22, $0x7;
	[sflag:s31] =	ssyncset.done $0x0  }
0x1c1: {  	s22 =	sadd.s32 s1, s22;
	[sflag:s31] =	ssyncadd.s32 $0xFFFFE000  }
0x1c2: {  	[tilespmem:s30], [sflag:$0x1] =	stream.linear.gather [hbm4b:s22+s21], $0x2000, $0x38;
	[tilespmem:$0x10400] =	vst v63  }
0x1c3: {  	v2 =	vld.msk [tilespmem:s17+$0x20], $0xff;
	_ =	sdelay $0x4  }
0x1c4: {  	v3 =	vshll.u32 v2, $0x3  }
0x1c5: {  	v2 =	vand.u32 $0x7, v2;
	v3 =	vand.u32 $0xFFFFFFC0, v3  }
0x1c6: {  	v2 =	vor.u32 v2, v3  }
0x1c7: {  	v2 =	vperm.xlane v2, v0;
	_ =	sdelay $0x1  }
0x1c8: {  	v2 =	vadd.s32 v1, v2;
	_ =	sdelay $0x3  }
0x1c9: {  	s28 =	simm.s32 $0x400  }
0x1ca: {  	[tilespmem:s28], [sflag:$0x1] =	stream.indirect_vreg.gather [hbm4b:s3+s21], $0x80, v2, vm0, $0xb8;
	[tilespmem:$0x10400] =	vst v63  }
0x1cb: {  	s25 =	simm.s32 $0xC00  }
0x1cc: {  	[tilespmem:s25], [sflag:$0x1] =	stream.indirect_vreg.gather [hbm4b:s9+s21], $0x80, v2, vm0, $0xb8;
	[tilespmem:$0x10400] =	vst v63  }
0x1cd: {  	s26 =	simm.s32 $0x1400  }
0x1ce: {  	[tilespmem:s26], [sflag:$0x1] =	stream.indirect_vreg.gather [hbm4b:s10+s21], $0x80, v2, vm0, $0xb8;
	[tilespmem:$0x10400] =	vst v63  }
0x1cf: {  	s28 =	simm.s32 $0x1C00  }
0x1d0: {  	[tilespmem:s28], [sflag:$0x1] =	stream.indirect_vreg.gather [hbm4b:s11+s21], $0x80, v2, vm0, $0xb8;
	[tilespmem:$0x10400] =	vst v63  }
0x1d1: {  	_ =	swait.ge [sflag:s0], $0x2000  }
0x1d2: {  	[sflag:s0] =	ssyncset.done $0x0  }
0x1d3: {  	[sflag:s0] =	ssyncadd.s32 $0xFFFFE000  }
0x1d4: {  	_ =	swait.ge [sflag:s0], $0x2000  }
0x1d5: {  	[sflag:s0] =	ssyncset.done $0x0  }
0x1d6: {  	s22 =	simm.s32 $0x0;
	[sflag:s0] =	ssyncadd.s32 $0xFFFFE000  }
.LBB2_27:
0x1d7: {  	s25 =	sshra.s32 s21, $0x2  }
0x1d8: {  	v2 =	vld [tilespmem:s25+$0x4470]  }
0x1d9: {  	v3 =	vld [tilespmem:s25+$0x4400]  }
0x1da: {  	v4 =	vld [tilespmem:s25+$0x4410]  }
0x1db: {  	v5 =	vld [tilespmem:s25+$0x4420]  }
0x1dc: {  	v6 =	vld [tilespmem:s25+$0x4430]  }
0x1dd: {  	v7 =	vld [tilespmem:s25+$0x4440]  }
0x1de: {  	v8 =	vld [tilespmem:s25+$0x4450]  }
0x1df: {  	[tilespmem:s25+$0xC470] =	vst.add.f32.msk $0xffff, v2  }
0x1e0: {  	v2 =	vld [tilespmem:s25+$0x4460]  }
0x1e1: {  	[tilespmem:s25+$0xC400] =	vst.add.f32.msk $0xffff, v3  }
0x1e2: {  	[tilespmem:s25+$0xC410] =	vst.add.f32.msk $0xffff, v4  }
0x1e3: {  	[tilespmem:s25+$0xC420] =	vst.add.f32.msk $0xffff, v5  }
0x1e4: {  	[tilespmem:s25+$0xC430] =	vst.add.f32.msk $0xffff, v6  }
0x1e5: {  	[tilespmem:s25+$0xC440] =	vst.add.f32.msk $0xffff, v7  }
0x1e6: {  	s26 =	simm.s32 $0x0;
	s28 =	sadd.s32 $0x1000, s21;
	[tilespmem:s25+$0xC450] =	vst.add.f32.msk $0xffff, v8  }
.LBB2_28:
0x1e7: {  	s26 =	sadd.s32 $0x8, s26;
	[tilespmem:s25+$0xC460] =	vst.add.f32.msk $0xffff, v2;
	s25 =	sshra.s32 s28, $0x2  }
0x1e8: {  	v2 =	vld [tilespmem:s25+$0x4470];
	p0 =	slt.u32 s26, $0x38  }
0x1e9: {  	v3 =	vld [tilespmem:s25+$0x4400]  }
0x1ea: {  	v4 =	vld [tilespmem:s25+$0x4410]  }
0x1eb: {  	v5 =	vld [tilespmem:s25+$0x4420]  }
0x1ec: {  	v6 =	vld [tilespmem:s25+$0x4430]  }
0x1ed: {  	[tilespmem:s25+$0xC470] =	vst.add.f32.msk $0xffff, v2  }
0x1ee: {  	v7 =	vld [tilespmem:s25+$0x4440]  }
0x1ef: {  	v8 =	vld [tilespmem:s25+$0x4450]  }
0x1f0: {  	v2 =	vld [tilespmem:s25+$0x4460]  }
0x1f1: {  	[tilespmem:s25+$0xC400] =	vst.add.f32.msk $0xffff, v3  }
.Ltmp12:
0x1f2: {  	[tilespmem:s25+$0xC410] =	vst.add.f32.msk $0xffff, v4;
	(pc) =	sbr.rel @p0 .LBB2_28-.Ltmp12, $4  }
0x1f3: {  	[tilespmem:s25+$0xC420] =	vst.add.f32.msk $0xffff, v5  }
0x1f4: {  	[tilespmem:s25+$0xC430] =	vst.add.f32.msk $0xffff, v6  }
0x1f5: {  	[tilespmem:s25+$0xC440] =	vst.add.f32.msk $0xffff, v7  }
0x1f6: {  	s28 =	sadd.s32 $0x1000, s28;
	[tilespmem:s25+$0xC450] =	vst.add.f32.msk $0xffff, v8  }
0x1f7: {  	s22 =	sadd.s32 $0x1, s22  }
0x1f8: {  	p0 =	sne.s32 s22, $0x8  }
.Ltmp13:
0x1f9: {  	_ = 	snop;
	(pc) =	sbr.rel @p0 .LBB2_27-.Ltmp13, $2  }
0x1fa: {  	_ =	sdelay $0x2  }
0x1fb: {  	[tilespmem:s25+$0xC460] =	vst.add.f32.msk $0xffff, v2;
	s21 =	sadd.s32 $0x200, s21  }
0x1fc: {  	s21 =	sadd.s32 s4, s19;
	s19 =	simm.s32 $0x0;
	s28 =	sadd.s32 $0x28, s17  }
0x1fd: {  	[hbm4b:s21+s19] =	stream.linear.scatter [tilespmem:s18], [sflag:$0x7], $0x2000, $0x38;
	[tilespmem:$0x10400] =	vst v63  }
0x1fe: {  	s21 =	sadd.s32 s6, s28;
	_ =	swait.ge [sflag:s2], $0x2000  }
0x1ff: {  	s21 =	sshll.u32 s21, $0x7;
	[sflag:s2] =	ssyncset.done $0x0  }
0x200: {  	s21 =	sadd.s32 s1, s21;
	[sflag:s2] =	ssyncadd.s32 $0xFFFFE000  }
0x201: {  	[tilespmem:s12], [sflag:$0x2] =	stream.linear.gather [hbm4b:s21+s19], $0x2000, $0x38;
	[tilespmem:$0x10400] =	vst v63  }
0x202: {  	v2 =	vld.msk [tilespmem:s17+$0x28], $0xff;
	_ =	sdelay $0x4  }
0x203: {  	v3 =	vshll.u32 v2, $0x3  }
0x204: {  	v2 =	vand.u32 $0x7, v2;
	v3 =	vand.u32 $0xFFFFFFC0, v3  }
0x205: {  	v2 =	vor.u32 v2, v3  }
0x206: {  	v2 =	vperm.xlane v2, v0;
	_ =	sdelay $0x1  }
0x207: {  	v2 =	vadd.s32 v1, v2;
	_ =	sdelay $0x3  }
0x208: {  	s22 =	simm.s32 $0x2400  }
0x209: {  	[tilespmem:s22], [sflag:$0x2] =	stream.indirect_vreg.gather [hbm4b:s3+s19], $0x80, v2, vm0, $0xb8;
	[tilespmem:$0x10400] =	vst v63  }
0x20a: {  	s25 =	simm.s32 $0x2C00  }
0x20b: {  	[tilespmem:s25], [sflag:$0x2] =	stream.indirect_vreg.gather [hbm4b:s9+s19], $0x80, v2, vm0, $0xb8;
	[tilespmem:$0x10400] =	vst v63  }
0x20c: {  	s26 =	simm.s32 $0x3400  }
0x20d: {  	[tilespmem:s26], [sflag:$0x2] =	stream.indirect_vreg.gather [hbm4b:s10+s19], $0x80, v2, vm0, $0xb8;
	[tilespmem:$0x10400] =	vst v63  }
0x20e: {  	s28 =	simm.s32 $0x3C00  }
0x20f: {  	[tilespmem:s28], [sflag:$0x2] =	stream.indirect_vreg.gather [hbm4b:s11+s19], $0x80, v2, vm0, $0xb8;
	[tilespmem:$0x10400] =	vst v63  }
0x210: {  	_ =	swait.ge [sflag:s7], $0x2000  }
0x211: {  	[sflag:s7] =	ssyncset.done $0x0  }
0x212: {  	[sflag:s7] =	ssyncadd.s32 $0xFFFFE000  }
0x213: {  	_ =	swait.ge [sflag:s7], $0x2000  }
0x214: {  	[sflag:s7] =	ssyncset.done $0x0  }
0x215: {  	s17 =	simm.s32 $0x0;
	[sflag:s7] =	ssyncadd.s32 $0xFFFFE000  }
.LBB2_31:
0x216: {  	s21 =	sshra.s32 s19, $0x2  }
0x217: {  	v2 =	vld [tilespmem:s21+$0x6470]  }
0x218: {  	v3 =	vld [tilespmem:s21+$0x6400]  }
0x219: {  	v4 =	vld [tilespmem:s21+$0x6410]  }
0x21a: {  	v5 =	vld [tilespmem:s21+$0x6420]  }
0x21b: {  	v6 =	vld [tilespmem:s21+$0x6430]  }
0x21c: {  	v7 =	vld [tilespmem:s21+$0x6440]  }
0x21d: {  	v8 =	vld [tilespmem:s21+$0x6450]  }
0x21e: {  	[tilespmem:s21+$0xE470] =	vst.add.f32.msk $0xffff, v2  }
0x21f: {  	v2 =	vld [tilespmem:s21+$0x6460]  }
0x220: {  	[tilespmem:s21+$0xE400] =	vst.add.f32.msk $0xffff, v3  }
0x221: {  	[tilespmem:s21+$0xE410] =	vst.add.f32.msk $0xffff, v4  }
0x222: {  	[tilespmem:s21+$0xE420] =	vst.add.f32.msk $0xffff, v5  }
0x223: {  	[tilespmem:s21+$0xE430] =	vst.add.f32.msk $0xffff, v6  }
0x224: {  	[tilespmem:s21+$0xE440] =	vst.add.f32.msk $0xffff, v7  }
0x225: {  	s22 =	simm.s32 $0x0;
	s25 =	sadd.s32 $0x1000, s19;
	[tilespmem:s21+$0xE450] =	vst.add.f32.msk $0xffff, v8  }
.LBB2_32:
0x226: {  	s22 =	sadd.s32 $0x8, s22;
	[tilespmem:s21+$0xE460] =	vst.add.f32.msk $0xffff, v2;
	s21 =	sshra.s32 s25, $0x2  }
0x227: {  	v2 =	vld [tilespmem:s21+$0x6470];
	p0 =	slt.u32 s22, $0x38  }
0x228: {  	v3 =	vld [tilespmem:s21+$0x6400]  }
0x229: {  	v4 =	vld [tilespmem:s21+$0x6410]  }
0x22a: {  	v5 =	vld [tilespmem:s21+$0x6420]  }
0x22b: {  	v6 =	vld [tilespmem:s21+$0x6430]  }
0x22c: {  	[tilespmem:s21+$0xE470] =	vst.add.f32.msk $0xffff, v2  }
0x22d: {  	v7 =	vld [tilespmem:s21+$0x6440]  }
0x22e: {  	v8 =	vld [tilespmem:s21+$0x6450]  }
0x22f: {  	v2 =	vld [tilespmem:s21+$0x6460]  }
0x230: {  	[tilespmem:s21+$0xE400] =	vst.add.f32.msk $0xffff, v3  }
.Ltmp14:
0x231: {  	[tilespmem:s21+$0xE410] =	vst.add.f32.msk $0xffff, v4;
	(pc) =	sbr.rel @p0 .LBB2_32-.Ltmp14, $4  }
0x232: {  	[tilespmem:s21+$0xE420] =	vst.add.f32.msk $0xffff, v5  }
0x233: {  	[tilespmem:s21+$0xE430] =	vst.add.f32.msk $0xffff, v6  }
0x234: {  	[tilespmem:s21+$0xE440] =	vst.add.f32.msk $0xffff, v7  }
0x235: {  	s25 =	sadd.s32 $0x1000, s25;
	[tilespmem:s21+$0xE450] =	vst.add.f32.msk $0xffff, v8  }
0x236: {  	s17 =	sadd.s32 $0x1, s17  }
0x237: {  	p0 =	sne.s32 s17, $0x8  }
.Ltmp15:
0x238: {  	_ = 	snop;
	(pc) =	sbr.rel @p0 .LBB2_31-.Ltmp15, $2  }
0x239: {  	_ =	sdelay $0x2  }
0x23a: {  	[tilespmem:s21+$0xE460] =	vst.add.f32.msk $0xffff, v2;
	s19 =	sadd.s32 $0x200, s19  }
0x23b: {  	s16 =	sadd.s32 $0x1, s16  }
0x23c: {  	p0 =	sne.s32 s16, $0x1F  }
.Ltmp16:
0x23d: {  	_ = 	snop;
	(pc) =	sbr.rel @p0 .LBB2_18-.Ltmp16, $3  }
0x23e: {  	_ =	sdelay $0x1  }
0x23f: {  	s17 =	sadd.s32 s4, s20  }
0x240: {  	[hbm4b:s17+s5] =	stream.linear.scatter [tilespmem:s24], [sflag:$0x8], $0x2000, $0x38;
	[tilespmem:$0x10400] =	vst v63  }
0x241: {  	_ =	swait.ge [sflag:s13], $0x2000  }
0x242: {  	[sflag:s13] =	ssyncset.done $0x0  }
0x243: {  	s16 =	simm.s32 $0x0;
	s17 =	rddreg [dreg:$0xf];
	[sflag:s13] =	ssyncadd.s32 $0xFFFFE000  }
0x244: {  	[tilespmem:s18], [sflag:$0x3] =	stream.linear.gather [hbm4b:s17+s16], $0x2000, $0x38;
	[tilespmem:$0x10400] =	vst v63  }
0x245: {  	v2 =	vld.msk [tilespmem:$0x3F0], $0xff;
	_ =	sdelay $0x4  }
0x246: {  	v3 =	vshll.u32 v2, $0x3  }
0x247: {  	v2 =	vand.u32 $0x7, v2;
	v3 =	vand.u32 $0xFFFFFFC0, v3  }
0x248: {  	v2 =	vor.u32 v2, v3  }
0x249: {  	v2 =	vperm.xlane v2, v0;
	_ =	sdelay $0x1  }
0x24a: {  	v2 =	vadd.s32 v1, v2;
	_ =	sdelay $0x3  }
0x24b: {  	s22 =	simm.s32 $0x4400  }
0x24c: {  	[tilespmem:s22], [sflag:$0x3] =	stream.indirect_vreg.gather [hbm4b:s3+s16], $0x80, v2, vm0, $0xb8;
	[tilespmem:$0x10400] =	vst v63  }
0x24d: {  	s25 =	simm.s32 $0x4C00  }
0x24e: {  	[tilespmem:s25], [sflag:$0x3] =	stream.indirect_vreg.gather [hbm4b:s9+s16], $0x80, v2, vm0, $0xb8;
	[tilespmem:$0x10400] =	vst v63  }
0x24f: {  	s26 =	simm.s32 $0x5400  }
0x250: {  	[tilespmem:s26], [sflag:$0x3] =	stream.indirect_vreg.gather [hbm4b:s10+s16], $0x80, v2, vm0, $0xb8;
	[tilespmem:$0x10400] =	vst v63  }
0x251: {  	s28 =	simm.s32 $0x5C00  }
0x252: {  	[tilespmem:s28], [sflag:$0x3] =	stream.indirect_vreg.gather [hbm4b:s11+s16], $0x80, v2, vm0, $0xb8;
	[tilespmem:$0x10400] =	vst v63  }
0x253: {  	_ =	swait.ge [sflag:s23], $0x2000  }
0x254: {  	[sflag:s23] =	ssyncset.done $0x0  }
0x255: {  	[sflag:s23] =	ssyncadd.s32 $0xFFFFE000  }
0x256: {  	_ =	swait.ge [sflag:s23], $0x2000  }
0x257: {  	[sflag:s23] =	ssyncset.done $0x0  }
0x258: {  	s17 =	simm.s32 $0x0;
	[sflag:s23] =	ssyncadd.s32 $0xFFFFE000  }
.LBB2_36:
0x259: {  	s19 =	sshra.s32 s16, $0x2  }
0x25a: {  	v2 =	vld [tilespmem:s19+$0x470]  }
0x25b: {  	v3 =	vld [tilespmem:s19+$0x400]  }
0x25c: {  	v4 =	vld [tilespmem:s19+$0x410]  }
0x25d: {  	v5 =	vld [tilespmem:s19+$0x420]  }
0x25e: {  	v6 =	vld [tilespmem:s19+$0x430]  }
0x25f: {  	v7 =	vld [tilespmem:s19+$0x440]  }
0x260: {  	v8 =	vld [tilespmem:s19+$0x450]  }
0x261: {  	[tilespmem:s19+$0x8470] =	vst.add.f32.msk $0xffff, v2  }
0x262: {  	v2 =	vld [tilespmem:s19+$0x460]  }
0x263: {  	[tilespmem:s19+$0x8400] =	vst.add.f32.msk $0xffff, v3  }
0x264: {  	[tilespmem:s19+$0x8410] =	vst.add.f32.msk $0xffff, v4  }
0x265: {  	[tilespmem:s19+$0x8420] =	vst.add.f32.msk $0xffff, v5  }
0x266: {  	[tilespmem:s19+$0x8430] =	vst.add.f32.msk $0xffff, v6  }
0x267: {  	[tilespmem:s19+$0x8440] =	vst.add.f32.msk $0xffff, v7  }
0x268: {  	s20 =	simm.s32 $0x0;
	s21 =	sadd.s32 $0x1000, s16;
	[tilespmem:s19+$0x8450] =	vst.add.f32.msk $0xffff, v8  }
.LBB2_37:
0x269: {  	s20 =	sadd.s32 $0x8, s20;
	[tilespmem:s19+$0x8460] =	vst.add.f32.msk $0xffff, v2;
	s19 =	sshra.s32 s21, $0x2  }
0x26a: {  	v2 =	vld [tilespmem:s19+$0x470];
	p0 =	slt.u32 s20, $0x38  }
0x26b: {  	v3 =	vld [tilespmem:s19+$0x400]  }
0x26c: {  	v4 =	vld [tilespmem:s19+$0x410]  }
0x26d: {  	v5 =	vld [tilespmem:s19+$0x420]  }
0x26e: {  	v6 =	vld [tilespmem:s19+$0x430]  }
0x26f: {  	[tilespmem:s19+$0x8470] =	vst.add.f32.msk $0xffff, v2  }
0x270: {  	v7 =	vld [tilespmem:s19+$0x440]  }
0x271: {  	v8 =	vld [tilespmem:s19+$0x450]  }
0x272: {  	v2 =	vld [tilespmem:s19+$0x460]  }
0x273: {  	[tilespmem:s19+$0x8400] =	vst.add.f32.msk $0xffff, v3  }
.Ltmp17:
0x274: {  	[tilespmem:s19+$0x8410] =	vst.add.f32.msk $0xffff, v4;
	(pc) =	sbr.rel @p0 .LBB2_37-.Ltmp17, $4  }
0x275: {  	[tilespmem:s19+$0x8420] =	vst.add.f32.msk $0xffff, v5  }
0x276: {  	[tilespmem:s19+$0x8430] =	vst.add.f32.msk $0xffff, v6  }
0x277: {  	[tilespmem:s19+$0x8440] =	vst.add.f32.msk $0xffff, v7  }
0x278: {  	s21 =	sadd.s32 $0x1000, s21;
	[tilespmem:s19+$0x8450] =	vst.add.f32.msk $0xffff, v8  }
0x279: {  	s17 =	sadd.s32 $0x1, s17  }
0x27a: {  	p0 =	sne.s32 s17, $0x8  }
.Ltmp18:
0x27b: {  	_ = 	snop;
	(pc) =	sbr.rel @p0 .LBB2_36-.Ltmp18, $2  }
0x27c: {  	_ =	sdelay $0x2  }
0x27d: {  	[tilespmem:s19+$0x8460] =	vst.add.f32.msk $0xffff, v2;
	s16 =	sadd.s32 $0x200, s16  }
0x27e: {  	s16 =	simm.s32 $0x0;
	s17 =	rddreg [dreg:$0x14]  }
0x27f: {  	[hbm4b:s17+s16] =	stream.linear.scatter [tilespmem:s30], [sflag:$0x5], $0x2000, $0x38;
	[tilespmem:$0x10400] =	vst v63  }
0x280: {  	_ =	swait.ge [sflag:s15], $0x2000  }
0x281: {  	[sflag:s15] =	ssyncset.done $0x0  }
0x282: {  	s22 =	rddreg [dreg:$0x10];
	[sflag:s15] =	ssyncadd.s32 $0xFFFFE000  }
0x283: {  	[tilespmem:s24], [sflag:$0x4] =	stream.linear.gather [hbm4b:s22+s16], $0x2000, $0x38;
	[tilespmem:$0x10400] =	vst v63  }
0x284: {  	v2 =	vld.msk [tilespmem:$0x3F8], $0xff;
	_ =	sdelay $0x4  }
0x285: {  	v3 =	vshll.u32 v2, $0x3  }
0x286: {  	v2 =	vand.u32 $0x7, v2;
	v3 =	vand.u32 $0xFFFFFFC0, v3  }
0x287: {  	v2 =	vor.u32 v2, v3  }
0x288: {  	v2 =	vperm.xlane v2, v0;
	_ =	sdelay $0x1  }
0x289: {  	v2 =	vadd.s32 v1, v2;
	_ =	sdelay $0x3  }
0x28a: {  	s25 =	simm.s32 $0x6400  }
0x28b: {  	[tilespmem:s25], [sflag:$0x4] =	stream.indirect_vreg.gather [hbm4b:s3+s16], $0x80, v2, vm0, $0xb8;
	[tilespmem:$0x10400] =	vst v63  }
0x28c: {  	s26 =	simm.s32 $0x6C00  }
0x28d: {  	[tilespmem:s26], [sflag:$0x4] =	stream.indirect_vreg.gather [hbm4b:s9+s16], $0x80, v2, vm0, $0xb8;
	[tilespmem:$0x10400] =	vst v63  }
0x28e: {  	s28 =	simm.s32 $0x7400  }
0x28f: {  	[tilespmem:s28], [sflag:$0x4] =	stream.indirect_vreg.gather [hbm4b:s10+s16], $0x80, v2, vm0, $0xb8;
	[tilespmem:$0x10400] =	vst v63  }
0x290: {  	_ = 	snop  }
0x291: {  	[tilespmem:s8], [sflag:$0x4] =	stream.indirect_vreg.gather [hbm4b:s11+s16], $0x80, v2, vm0, $0xb8;
	[tilespmem:$0x10400] =	vst v63  }
0x292: {  	_ =	swait.ge [sflag:s29], $0x2000  }
0x293: {  	[sflag:s29] =	ssyncset.done $0x0  }
0x294: {  	[sflag:s29] =	ssyncadd.s32 $0xFFFFE000  }
0x295: {  	_ =	swait.ge [sflag:s29], $0x2000  }
0x296: {  	[sflag:s29] =	ssyncset.done $0x0  }
0x297: {  	s17 =	simm.s32 $0x0;
	[sflag:s29] =	ssyncadd.s32 $0xFFFFE000  }
.LBB2_40:
0x298: {  	s19 =	sshra.s32 s16, $0x2  }
0x299: {  	v2 =	vld [tilespmem:s19+$0x2470]  }
0x29a: {  	v3 =	vld [tilespmem:s19+$0x2400]  }
0x29b: {  	v4 =	vld [tilespmem:s19+$0x2410]  }
0x29c: {  	v5 =	vld [tilespmem:s19+$0x2420]  }
0x29d: {  	v6 =	vld [tilespmem:s19+$0x2430]  }
0x29e: {  	v7 =	vld [tilespmem:s19+$0x2440]  }
0x29f: {  	v8 =	vld [tilespmem:s19+$0x2450]  }
0x2a0: {  	[tilespmem:s19+$0xA470] =	vst.add.f32.msk $0xffff, v2  }
0x2a1: {  	v2 =	vld [tilespmem:s19+$0x2460]  }
0x2a2: {  	[tilespmem:s19+$0xA400] =	vst.add.f32.msk $0xffff, v3  }
0x2a3: {  	[tilespmem:s19+$0xA410] =	vst.add.f32.msk $0xffff, v4  }
0x2a4: {  	[tilespmem:s19+$0xA420] =	vst.add.f32.msk $0xffff, v5  }
0x2a5: {  	[tilespmem:s19+$0xA430] =	vst.add.f32.msk $0xffff, v6  }
0x2a6: {  	[tilespmem:s19+$0xA440] =	vst.add.f32.msk $0xffff, v7  }
0x2a7: {  	s20 =	simm.s32 $0x0;
	s21 =	sadd.s32 $0x1000, s16;
	[tilespmem:s19+$0xA450] =	vst.add.f32.msk $0xffff, v8  }
.LBB2_41:
0x2a8: {  	s20 =	sadd.s32 $0x8, s20;
	[tilespmem:s19+$0xA460] =	vst.add.f32.msk $0xffff, v2;
	s19 =	sshra.s32 s21, $0x2  }
0x2a9: {  	v2 =	vld [tilespmem:s19+$0x2470];
	p0 =	slt.u32 s20, $0x38  }
0x2aa: {  	v3 =	vld [tilespmem:s19+$0x2400]  }
0x2ab: {  	v4 =	vld [tilespmem:s19+$0x2410]  }
0x2ac: {  	v5 =	vld [tilespmem:s19+$0x2420]  }
0x2ad: {  	v6 =	vld [tilespmem:s19+$0x2430]  }
0x2ae: {  	[tilespmem:s19+$0xA470] =	vst.add.f32.msk $0xffff, v2  }
0x2af: {  	v7 =	vld [tilespmem:s19+$0x2440]  }
0x2b0: {  	v8 =	vld [tilespmem:s19+$0x2450]  }
0x2b1: {  	v2 =	vld [tilespmem:s19+$0x2460]  }
0x2b2: {  	[tilespmem:s19+$0xA400] =	vst.add.f32.msk $0xffff, v3  }
.Ltmp19:
0x2b3: {  	[tilespmem:s19+$0xA410] =	vst.add.f32.msk $0xffff, v4;
	(pc) =	sbr.rel @p0 .LBB2_41-.Ltmp19, $4  }
0x2b4: {  	[tilespmem:s19+$0xA420] =	vst.add.f32.msk $0xffff, v5  }
0x2b5: {  	[tilespmem:s19+$0xA430] =	vst.add.f32.msk $0xffff, v6  }
0x2b6: {  	[tilespmem:s19+$0xA440] =	vst.add.f32.msk $0xffff, v7  }
0x2b7: {  	s21 =	sadd.s32 $0x1000, s21;
	[tilespmem:s19+$0xA450] =	vst.add.f32.msk $0xffff, v8  }
0x2b8: {  	s17 =	sadd.s32 $0x1, s17  }
0x2b9: {  	p0 =	sne.s32 s17, $0x8  }
.Ltmp20:
0x2ba: {  	_ = 	snop;
	(pc) =	sbr.rel @p0 .LBB2_40-.Ltmp20, $2  }
0x2bb: {  	_ =	sdelay $0x2  }
0x2bc: {  	[tilespmem:s19+$0xA460] =	vst.add.f32.msk $0xffff, v2;
	s16 =	sadd.s32 $0x200, s16  }
0x2bd: {  	s16 =	simm.s32 $0x0;
	s17 =	rddreg [dreg:$0x15]  }
0x2be: {  	[hbm4b:s17+s16] =	stream.linear.scatter [tilespmem:s12], [sflag:$0x6], $0x2000, $0x38;
	[tilespmem:$0x10400] =	vst v63  }
0x2bf: {  	_ =	swait.ge [sflag:s31], $0x2000  }
0x2c0: {  	[sflag:s31] =	ssyncset.done $0x0  }
0x2c1: {  	[sflag:s31] =	ssyncadd.s32 $0xFFFFE000  }
0x2c2: {  	_ =	swait.ge [sflag:s0], $0x2000  }
0x2c3: {  	[sflag:s0] =	ssyncset.done $0x0  }
0x2c4: {  	[sflag:s0] =	ssyncadd.s32 $0xFFFFE000  }
0x2c5: {  	_ =	swait.ge [sflag:s0], $0x2000  }
0x2c6: {  	[sflag:s0] =	ssyncset.done $0x0  }
0x2c7: {  	s17 =	simm.s32 $0x0;
	[sflag:s0] =	ssyncadd.s32 $0xFFFFE000  }
.LBB2_44:
0x2c8: {  	s19 =	sshra.s32 s16, $0x2  }
0x2c9: {  	v2 =	vld [tilespmem:s19+$0x4470]  }
0x2ca: {  	v3 =	vld [tilespmem:s19+$0x4400]  }
0x2cb: {  	v4 =	vld [tilespmem:s19+$0x4410]  }
0x2cc: {  	v5 =	vld [tilespmem:s19+$0x4420]  }
0x2cd: {  	v6 =	vld [tilespmem:s19+$0x4430]  }
0x2ce: {  	v7 =	vld [tilespmem:s19+$0x4440]  }
0x2cf: {  	v8 =	vld [tilespmem:s19+$0x4450]  }
0x2d0: {  	[tilespmem:s19+$0xC470] =	vst.add.f32.msk $0xffff, v2  }
0x2d1: {  	v2 =	vld [tilespmem:s19+$0x4460]  }
0x2d2: {  	[tilespmem:s19+$0xC400] =	vst.add.f32.msk $0xffff, v3  }
0x2d3: {  	[tilespmem:s19+$0xC410] =	vst.add.f32.msk $0xffff, v4  }
0x2d4: {  	[tilespmem:s19+$0xC420] =	vst.add.f32.msk $0xffff, v5  }
0x2d5: {  	[tilespmem:s19+$0xC430] =	vst.add.f32.msk $0xffff, v6  }
0x2d6: {  	[tilespmem:s19+$0xC440] =	vst.add.f32.msk $0xffff, v7  }
0x2d7: {  	s20 =	simm.s32 $0x0;
	s21 =	sadd.s32 $0x1000, s16;
	[tilespmem:s19+$0xC450] =	vst.add.f32.msk $0xffff, v8  }
.LBB2_45:
0x2d8: {  	s20 =	sadd.s32 $0x8, s20;
	[tilespmem:s19+$0xC460] =	vst.add.f32.msk $0xffff, v2;
	s19 =	sshra.s32 s21, $0x2  }
0x2d9: {  	v2 =	vld [tilespmem:s19+$0x4470];
	p0 =	slt.u32 s20, $0x38  }
0x2da: {  	v3 =	vld [tilespmem:s19+$0x4400]  }
0x2db: {  	v4 =	vld [tilespmem:s19+$0x4410]  }
0x2dc: {  	v5 =	vld [tilespmem:s19+$0x4420]  }
0x2dd: {  	v6 =	vld [tilespmem:s19+$0x4430]  }
0x2de: {  	[tilespmem:s19+$0xC470] =	vst.add.f32.msk $0xffff, v2  }
0x2df: {  	v7 =	vld [tilespmem:s19+$0x4440]  }
0x2e0: {  	v8 =	vld [tilespmem:s19+$0x4450]  }
0x2e1: {  	v2 =	vld [tilespmem:s19+$0x4460]  }
0x2e2: {  	[tilespmem:s19+$0xC400] =	vst.add.f32.msk $0xffff, v3  }
.Ltmp21:
0x2e3: {  	[tilespmem:s19+$0xC410] =	vst.add.f32.msk $0xffff, v4;
	(pc) =	sbr.rel @p0 .LBB2_45-.Ltmp21, $4  }
0x2e4: {  	[tilespmem:s19+$0xC420] =	vst.add.f32.msk $0xffff, v5  }
0x2e5: {  	[tilespmem:s19+$0xC430] =	vst.add.f32.msk $0xffff, v6  }
0x2e6: {  	[tilespmem:s19+$0xC440] =	vst.add.f32.msk $0xffff, v7  }
0x2e7: {  	s21 =	sadd.s32 $0x1000, s21;
	[tilespmem:s19+$0xC450] =	vst.add.f32.msk $0xffff, v8  }
0x2e8: {  	s17 =	sadd.s32 $0x1, s17  }
0x2e9: {  	p0 =	sne.s32 s17, $0x8  }
.Ltmp22:
0x2ea: {  	_ = 	snop;
	(pc) =	sbr.rel @p0 .LBB2_44-.Ltmp22, $2  }
0x2eb: {  	_ =	sdelay $0x2  }
0x2ec: {  	[tilespmem:s19+$0xC460] =	vst.add.f32.msk $0xffff, v2;
	s16 =	sadd.s32 $0x200, s16  }
0x2ed: {  	s16 =	simm.s32 $0x0;
	s17 =	rddreg [dreg:$0x11]  }
0x2ee: {  	[hbm4b:s17+s16] =	stream.linear.scatter [tilespmem:s18], [sflag:$0x7], $0x2000, $0x38;
	[tilespmem:$0x10400] =	vst v63  }
0x2ef: {  	_ =	swait.ge [sflag:s2], $0x2000  }
0x2f0: {  	[sflag:s2] =	ssyncset.done $0x0  }
0x2f1: {  	[sflag:s2] =	ssyncadd.s32 $0xFFFFE000  }
0x2f2: {  	_ =	swait.ge [sflag:s7], $0x2000  }
0x2f3: {  	[sflag:s7] =	ssyncset.done $0x0  }
0x2f4: {  	[sflag:s7] =	ssyncadd.s32 $0xFFFFE000  }
0x2f5: {  	_ =	swait.ge [sflag:s7], $0x2000  }
0x2f6: {  	[sflag:s7] =	ssyncset.done $0x0  }
0x2f7: {  	s17 =	simm.s32 $0x0;
	[sflag:s7] =	ssyncadd.s32 $0xFFFFE000  }
.LBB2_48:
0x2f8: {  	s19 =	sshra.s32 s16, $0x2  }
0x2f9: {  	v2 =	vld [tilespmem:s19+$0x6470]  }
0x2fa: {  	v3 =	vld [tilespmem:s19+$0x6400]  }
0x2fb: {  	v4 =	vld [tilespmem:s19+$0x6410]  }
0x2fc: {  	v5 =	vld [tilespmem:s19+$0x6420]  }
0x2fd: {  	v6 =	vld [tilespmem:s19+$0x6430]  }
0x2fe: {  	v7 =	vld [tilespmem:s19+$0x6440]  }
0x2ff: {  	v8 =	vld [tilespmem:s19+$0x6450]  }
0x300: {  	[tilespmem:s19+$0xE470] =	vst.add.f32.msk $0xffff, v2  }
0x301: {  	v2 =	vld [tilespmem:s19+$0x6460]  }
0x302: {  	[tilespmem:s19+$0xE400] =	vst.add.f32.msk $0xffff, v3  }
0x303: {  	[tilespmem:s19+$0xE410] =	vst.add.f32.msk $0xffff, v4  }
0x304: {  	[tilespmem:s19+$0xE420] =	vst.add.f32.msk $0xffff, v5  }
0x305: {  	[tilespmem:s19+$0xE430] =	vst.add.f32.msk $0xffff, v6  }
0x306: {  	[tilespmem:s19+$0xE440] =	vst.add.f32.msk $0xffff, v7  }
0x307: {  	s20 =	simm.s32 $0x0;
	s21 =	sadd.s32 $0x1000, s16;
	[tilespmem:s19+$0xE450] =	vst.add.f32.msk $0xffff, v8  }
.LBB2_49:
0x308: {  	s20 =	sadd.s32 $0x8, s20;
	[tilespmem:s19+$0xE460] =	vst.add.f32.msk $0xffff, v2;
	s19 =	sshra.s32 s21, $0x2  }
0x309: {  	v2 =	vld [tilespmem:s19+$0x6470];
	p0 =	slt.u32 s20, $0x38  }
0x30a: {  	v3 =	vld [tilespmem:s19+$0x6400]  }
0x30b: {  	v4 =	vld [tilespmem:s19+$0x6410]  }
0x30c: {  	v5 =	vld [tilespmem:s19+$0x6420]  }
0x30d: {  	v6 =	vld [tilespmem:s19+$0x6430]  }
0x30e: {  	[tilespmem:s19+$0xE470] =	vst.add.f32.msk $0xffff, v2  }
0x30f: {  	v7 =	vld [tilespmem:s19+$0x6440]  }
0x310: {  	v8 =	vld [tilespmem:s19+$0x6450]  }
0x311: {  	v2 =	vld [tilespmem:s19+$0x6460]  }
0x312: {  	[tilespmem:s19+$0xE400] =	vst.add.f32.msk $0xffff, v3  }
.Ltmp23:
0x313: {  	[tilespmem:s19+$0xE410] =	vst.add.f32.msk $0xffff, v4;
	(pc) =	sbr.rel @p0 .LBB2_49-.Ltmp23, $4  }
0x314: {  	[tilespmem:s19+$0xE420] =	vst.add.f32.msk $0xffff, v5  }
0x315: {  	[tilespmem:s19+$0xE430] =	vst.add.f32.msk $0xffff, v6  }
0x316: {  	[tilespmem:s19+$0xE440] =	vst.add.f32.msk $0xffff, v7  }
0x317: {  	s21 =	sadd.s32 $0x1000, s21;
	[tilespmem:s19+$0xE450] =	vst.add.f32.msk $0xffff, v8  }
0x318: {  	s17 =	sadd.s32 $0x1, s17  }
0x319: {  	p0 =	sne.s32 s17, $0x8  }
.Ltmp24:
0x31a: {  	_ = 	snop;
	(pc) =	sbr.rel @p0 .LBB2_48-.Ltmp24, $2  }
0x31b: {  	_ =	sdelay $0x2  }
0x31c: {  	[tilespmem:s19+$0xE460] =	vst.add.f32.msk $0xffff, v2;
	s16 =	sadd.s32 $0x200, s16  }
0x31d: {  	s16 =	rddreg [dreg:$0x12]  }
0x31e: {  	[hbm4b:s16+s5] =	stream.linear.scatter [tilespmem:s24], [sflag:$0x8], $0x2000, $0x38;
	[tilespmem:$0x10400] =	vst v63  }
0x31f: {  	_ =	swait.ge [sflag:s13], $0x2000  }
0x320: {  	[sflag:s13] =	ssyncset.done $0x0  }
0x321: {  	[sflag:s13] =	ssyncadd.s32 $0xFFFFE000  }
0x322: {  	_ =	swait.ge [sflag:s15], $0x2000  }
0x323: {  	s17 =	rddreg [dreg:$0x16]  }
0x324: {  	s28 =	rddreg [dreg:$0x13];
	s17 =	sadd.s32 $0x1, s17  }
0x325: {  	p0 =	sne.s32 s17, s28  }
.Ltmp25:
0x326: {  	_ = 	snop;
	(pc) =	sbr.rel @p0 .LBB2_1-.Ltmp25, $3  }
0x327: {  	_ =	sdelay $0x1  }
0x328: {  	[sflag:s15] =	ssyncset.done $0x0  }
0x329: {  	[sflag:s15] =	ssyncadd.s32 $0xFFFFE000  }
0x32a: {  	_ =	sfence.sel $0x180000  }
0x32b: {  	[bflag:$0x0] =	sbarrier.arrive $0xFFFF  }
0x32c: {  	_ =	strace $0x90000047  }
0x32d: {  	s0 =	stileid.u32;
	[bflag:$0x2] =	sbarrier.arrive $0xFFFF  }
0x32e: {  	p0 =	sne.s32 s0, $0x0;
	s0 =	rddreg [dreg:$0x4]  }
0x32f: {  	s0 =	sadd.s32 @!p0 $0x100000, s0  }
0x330: {  	[sflag:s0] =	ssyncadd.tile.s32 @!p0 $0x1;
	_ =	shalt  }
.Lfunc_end2:
_tile_overlayer_lowered:
.L_overlay_start_2:
0x331: {  	(tag) =	ssettag $0x2  }
0x332: {  	s0 =	rddreg [dreg:$0x0];
	s2 =	stileid.u32  }
0x333: {  	s1 =	rddreg [dreg:$0x1];
	p0 =	sne.s32 s2, $0x0  }
0x334: {  	s3 =	rddreg [dreg:$0x2];
	[bflag:$0x3] =	sbarrier.arrive $0xFFFF;
	s2 =	simm.s32 @!p0 $0x1C09  }
0x335: {  	[timem:s3], [sflag:s2] =	dma.local @!p0 [hbm:s0], s1  }
0x336: {  	s0 =	simm.s32 @!p0 $0x9  }
0x337: {  	_ =	swait.ge @!p0 [sflag:s0], s1  }
0x338: {  	s1 =	ssub.s32 @!p0 $0x0, s1;
	[sflag:s0] =	ssyncset.done @!p0 $0x0  }
0x339: {  	[sflag:s0] =	ssyncadd.s32 @!p0 s1  }
0x33a: {  	[bflag:$0x3] =	sbarrier.arrive $0xFFFF  }
0x33b: {  	_ =	shalt  }

</sc_bundles>
